<compile_context>
chip_gen: v7x
topology: tpu7x:2x2x1
jax: 0.10.2.dev20260603
libtpu: 0.0.44.dev20260713+nightly
codegen_flags: <defaults>
</compile_context>

<pallas_src>
import functools

import jax
import jax.numpy as jnp
from jax import lax
from jax.experimental import pallas as pl
from jax.experimental.pallas import tpu as pltpu
from jax.experimental.pallas import tpu_sc as plsc

P, Q, S = 64, 64, 4096
L = 16
NC, NS = 2, 16
NW = NC * NS
P_TC = 34
P_SC = P - P_TC
QB = 8
NCHUNK = Q // QB
SCH = S // L

_mesh = plsc.VectorSubcoreMesh(core_axis_name="c", subcore_axis_name="s")


@functools.partial(
    pl.kernel,
    mesh=_mesh,
    out_type=jax.ShapeDtypeStruct((P_SC, Q), jnp.float32),
    compiler_params=pltpu.CompilerParams(needs_layout_passes=False),
    scratch_types=[
        pltpu.VMEM((S,), jnp.float32),
        pltpu.VMEM((P,), jnp.float32),
        pltpu.VMEM((Q,), jnp.float32),
        pltpu.VMEM((QB, S), jnp.float32),
        pltpu.VMEM((QB, S), jnp.float32),
        pltpu.SemaphoreType.DMA,
        pltpu.SemaphoreType.DMA,
    ],
)
def _sc_logits(costs_hbm, valid_hbm, occ_hbm, out_hbm,
               costs_v, valid_v, out_v, buf0, buf1, sem0, sem1):
    wid = lax.axis_index("s") * NC + lax.axis_index("c")
    pltpu.sync_copy(valid_hbm, valid_v)
    bufs = (buf0, buf1)
    sems = (sem0, sem1)
    lane_iota = lax.iota(jnp.int32, L)
    for t in range((P_SC + NW - 1) // NW):

        @pl.when(t * NW + wid < P_SC)
        def _problem():
            pp = t * NW + wid
            p = P_TC + pp
            pltpu.sync_copy(costs_hbm.at[p], costs_v)

            def _clean(si, carry):
                base = pl.multiple_of(si * L, L)
                c = costs_v[pl.ds(base, L)]
                costs_v[pl.ds(base, L)] = jnp.where(c != c, jnp.float32(1.0), c)
                return carry

            lax.fori_loop(0, SCH, _clean, 0)

            pbase = pl.multiple_of((p // L) * L, L)
            vvec = valid_v[pl.ds(pbase, L)]
            vfv = jnp.sum(jnp.where(lane_iota == (p - pbase), vvec,
                                    jnp.float32(0.0)))

            def _compute8(buf, res, off):
                def _acc(si, accs):
                    base = pl.multiple_of(si * L, L)
                    c = costs_v[pl.ds(base, L)]
                    return tuple(accs[j] + buf[j, pl.ds(base, L)] * c
                                 for j in range(QB))

                accs = lax.fori_loop(
                    0, SCH, _acc,
                    tuple(jnp.zeros((L,), jnp.float32) for _ in range(QB)))
                for j in range(QB):
                    res = jnp.where(lane_iota == (off + j),
                                    jnp.sum(accs[j]), res)
                return res

            pltpu.async_copy(occ_hbm.at[p, pl.ds(0, QB), :], buf0, sem0)

            def _pair(g, carry):
                q0 = pl.multiple_of(g * 2 * QB, 2 * QB)
                h1 = pltpu.async_copy(
                    occ_hbm.at[p, pl.ds(q0 + QB, QB), :], buf1, sem1)
                pltpu.make_async_copy(
                    occ_hbm.at[p, pl.ds(q0, QB), :], buf0, sem0).wait()
                res = _compute8(buf0, jnp.zeros((L,), jnp.float32), 0)

                @pl.when(g < NCHUNK // 2 - 1)
                def _prefetch():
                    pltpu.async_copy(
                        occ_hbm.at[p, pl.ds(q0 + 2 * QB, QB), :], buf0, sem0)

                h1.wait()
                res = _compute8(buf1, res, QB)
                out_v[pl.ds(pl.multiple_of(g * L, L), L)] = res * vfv
                return carry

            lax.fori_loop(0, NCHUNK // 2, _pair, 0)
            pltpu.sync_copy(out_v, out_hbm.at[pp])


PB_TC = 2


def _tc_body(valid_ref, costs_ref, occ_ref, out_ref):
    pid = pl.program_id(0)
    for i in range(PB_TC):
        c = costs_ref[pid * PB_TC + i]
        c = jnp.where(jnp.isnan(c), jnp.float32(1.0), c)
        vf = valid_ref[pid * PB_TC + i]
        out_ref[i] = jnp.sum(occ_ref[i] * c[None, :], axis=1)[None, :] * vf


def _tc_logits(costs, valid_f, occ):
    out = pl.pallas_call(
        _tc_body,
        grid=(P_TC // PB_TC,),
        in_specs=[
            pl.BlockSpec(memory_space=pltpu.SMEM),
            pl.BlockSpec((P, S), lambda p: (0, 0)),
            pl.BlockSpec((PB_TC, Q, S), lambda p: (p, 0, 0)),
        ],
        out_specs=pl.BlockSpec((PB_TC, 1, Q), lambda p: (p, 0, 0)),
        out_shape=jax.ShapeDtypeStruct((P_TC, 1, Q), jnp.float32),
    )(valid_f, costs, occ)
    return out.reshape(P_TC, Q)


def kernel(costs, valid, occ):
    valid_f = valid.astype(jnp.float32)
    sc_part = _sc_logits(costs, valid_f, occ)
    tc_part = _tc_logits(costs, valid_f, occ)
    logits = jnp.concatenate([tc_part, sc_part], axis=0)
    return (logits, valid)

# --- scband reference (transcript-rebuilt; emitter-appended) ---
"""Pipeline reference for scband-classifier-33741263077465 (READ-ONLY COPY).

The authoritative reference and input builder live on the scoring server;
editing this copy changes nothing except your own understanding.
"""

import jax, jax.numpy as jnp
import numpy as np


def setup_inputs(seed: int = 0) -> dict:
    key = jax.random.key(seed)
    k1, k2, k3 = jax.random.split(key, 3)
    P, Q, S = 64, 64, 4096
    # symbol costs produced by symbol_weight_model: ragged [P, (S)] -> uniform [P, S]
    costs = jax.random.uniform(k1, (P, S), dtype=jnp.float32)
    # per-problem validity flags from the decorated symbol-cost dict
    valid = jax.random.randint(k2, (P,), 0, 2).astype(jnp.bool_)
    # occurrence counts: ragged [P, (Q), (S)] -> uniform [P, Q, S], integer counts cast to float
    occ = jax.random.randint(k3, (P, Q, S), 0, 5).astype(jnp.float32)
    return {"costs": costs, "valid": valid, "occ": occ}


def reference(costs, valid, occ):
    # Faithful translation of Classifier.costs_decorated_to_logits with uniform ragged lengths.
    P, S = costs.shape
    Q = occ.shape[1]
    # NaN costs replaced by 1.0 (tf.where(tf.math.is_nan(...), 1.0, ...))
    costs_clean = jnp.where(jnp.isnan(costs), jnp.float32(1.0), costs)
    costs_flat = costs_clean.reshape(-1)
    # tile_like: for each question of problem p, gather that problem's symbol-cost row
    # (starts = repeat(row_splits[:-1], n_questions); indices = ragged range; tf.gather)
    starts = jnp.repeat(jnp.arange(P, dtype=jnp.int32) * S, Q)
    idx = starts[:, None] + jnp.arange(S, dtype=jnp.int32)[None, :]
    sc_tiled = jnp.take(costs_flat, idx, axis=0)  # [P*Q, S] gather
    # potentials = occurrence_count * tiled symbol costs (map_flat_values multiply)
    occ2 = occ.reshape(P * Q, S)
    potentials = occ2 * sc_tiled
    # logits = reduce_sum over symbol axis (axis=2 of the ragged tensor)
    logits_flat = jnp.sum(potentials, axis=1)  # [P*Q]
    # scatter_nd of valid logits into a zero-initialized flat buffer:
    # invalid problems' questions get 0 logits
    mask = jnp.repeat(valid, Q)
    logits_values = jnp.where(mask, logits_flat, jnp.float32(0.0))
    logits = logits_values.reshape(P, Q)
    return (logits, valid)

if __name__ == "__main__":
    import jax
    _d = setup_inputs()
    print(jax.jit(kernel)(*tuple(_d.values())))

</pallas_src>

<mosaic_0001>
#map = affine_map<(d0, d1) -> (0, 0)>
#map1 = affine_map<(d0, d1) -> (0)>
#map2 = affine_map<(d0, d1) -> (0, 0, 0)>
module attributes {stable_mosaic.version = 14 : i64} {
  func.func @_sc_logits(%arg0: i32, %arg1: i32, %arg2: memref<64x4096xf32, #tpu.memory_space<hbm>>, %arg3: memref<64xf32, #tpu.memory_space<hbm>>, %arg4: memref<64x64x4096xf32, #tpu.memory_space<hbm>>, %arg5: memref<30x64xf32, #tpu.memory_space<hbm>>, %arg6: memref<4096xf32, #tpu.memory_space<vmem>>, %arg7: memref<64xf32, #tpu.memory_space<vmem>>, %arg8: memref<64xf32, #tpu.memory_space<vmem>>, %arg9: memref<8x4096xf32, #tpu.memory_space<vmem>>, %arg10: memref<8x4096xf32, #tpu.memory_space<vmem>>, %arg11: memref<!tpu.dma_semaphore, #tpu.memory_space<semaphore_mem>>, %arg12: memref<!tpu.dma_semaphore, #tpu.memory_space<semaphore_mem>>) attributes {dimension_semantics = [#tpu.dimension_semantics<core_parallel>, #tpu.dimension_semantics<subcore_parallel>], iteration_bounds = array<i64: 2, 16>, scalar_prefetch = 0 : i64, scratch_operands = 7 : i64, tpu.core_type = #tpu.core_type<sc_vector_subcore>, window_params = [{transform_indices = #map}, {transform_indices = #map1}, {transform_indices = #map2}, {transform_indices = #map}]} {
    %mul3A = arith.constant 2 : i32
    %mul3A_0 = arith.muli %arg1, %mul3A : i32
    %add3A = arith.addi %mul3A_0, %arg0 : i32
    "tpu.region"() ({
      %run_scoped3A = tpu.sem_alloc : memref<!tpu.dma_semaphore, #tpu.memory_space<semaphore_mem>>
      tpu.enqueue_dma source(%arg3 : memref<64xf32, #tpu.memory_space<hbm>>) target(%arg7 : memref<64xf32, #tpu.memory_space<vmem>>) target_semaphore(%run_scoped3A : memref<!tpu.dma_semaphore, #tpu.memory_space<semaphore_mem>>)
      tpu.wait_dma2 semaphore(%run_scoped3A : memref<!tpu.dma_semaphore, #tpu.memory_space<semaphore_mem>>) src(%arg3 : memref<64xf32, #tpu.memory_space<hbm>>) dst(%arg7 : memref<64xf32, #tpu.memory_space<vmem>>)
      tpu.yield
    }) : () -> ()
    %iota3A = tpu.iota {dimensions = array<i32: 0>} : vector<16xi32>
    %add3A_1 = arith.constant 0 : i32
    %add3A_2 = arith.addi %add3A_1, %add3A : i32
    %lt3A = arith.constant 30 : i32
    %lt3A_3 = arith.cmpi slt, %add3A_2, %lt3A : i32
    %convert_element_type3A = arith.extui %lt3A_3 : i1 to i32
    %cond3A = arith.constant 0 : i32
    %cond3A_4 = arith.cmpi ne, %convert_element_type3A, %cond3A : i32
    scf.if %cond3A_4 {
      %add3A_5 = arith.constant 0 : i32
      %add3A_6 = arith.addi %add3A_5, %add3A : i32
      %add3A_7 = arith.constant 34 : i32
      %add3A_8 = arith.addi %add3A_7, %add3A_6 : i32
      "tpu.region"() ({
        %run_scoped3A = tpu.sem_alloc : memref<!tpu.dma_semaphore, #tpu.memory_space<semaphore_mem>>
        %dma_start3A_53 = arith.constant 0 : i32
        %dma_start3A_54 = tpu.memref_slice %arg2[%add3A_8, %dma_start3A_53] : memref<64x4096xf32, #tpu.memory_space<hbm>> -> memref<1x4096xf32, #tpu.memory_space<hbm>>
        %dma_start3A_55 = tpu.memref_squeeze %dma_start3A_54 : memref<1x4096xf32, #tpu.memory_space<hbm>> -> memref<4096xf32, #tpu.memory_space<hbm>>
        %dma_start3A_56 = arith.constant 0 : i32
        %dma_start3A_57 = tpu.memref_slice %arg2[%add3A_8, %dma_start3A_56] : memref<64x4096xf32, #tpu.memory_space<hbm>> -> memref<1x4096xf32, #tpu.memory_space<hbm>>
        %dma_start3A_58 = tpu.memref_squeeze %dma_start3A_57 : memref<1x4096xf32, #tpu.memory_space<hbm>> -> memref<4096xf32, #tpu.memory_space<hbm>>
        tpu.enqueue_dma source(%dma_start3A_58 : memref<4096xf32, #tpu.memory_space<hbm>>) target(%arg6 : memref<4096xf32, #tpu.memory_space<vmem>>) target_semaphore(%run_scoped3A : memref<!tpu.dma_semaphore, #tpu.memory_space<semaphore_mem>>)
        %dma_wait3A = arith.constant 0 : i32
        %dma_wait3A_59 = tpu.memref_slice %arg2[%add3A_8, %dma_wait3A] : memref<64x4096xf32, #tpu.memory_space<hbm>> -> memref<1x4096xf32, #tpu.memory_space<hbm>>
        %dma_wait3A_60 = tpu.memref_squeeze %dma_wait3A_59 : memref<1x4096xf32, #tpu.memory_space<hbm>> -> memref<4096xf32, #tpu.memory_space<hbm>>
        %dma_wait3A_61 = arith.constant 0 : i32
        %dma_wait3A_62 = tpu.memref_slice %arg2[%add3A_8, %dma_wait3A_61] : memref<64x4096xf32, #tpu.memory_space<hbm>> -> memref<1x4096xf32, #tpu.memory_space<hbm>>
        %dma_wait3A_63 = tpu.memref_squeeze %dma_wait3A_62 : memref<1x4096xf32, #tpu.memory_space<hbm>> -> memref<4096xf32, #tpu.memory_space<hbm>>
        tpu.wait_dma2 semaphore(%run_scoped3A : memref<!tpu.dma_semaphore, #tpu.memory_space<semaphore_mem>>) src(%dma_wait3A_63 : memref<4096xf32, #tpu.memory_space<hbm>>) dst(%arg6 : memref<4096xf32, #tpu.memory_space<vmem>>)
        tpu.yield
      }) : () -> ()
      %scan3A = arith.constant 0 : i32
      %scan3A_9 = arith.constant 0 : i32
      %scan3A_10 = arith.constant 256 : i32
      %scan3A_11 = arith.addi %scan3A_9, %scan3A_10 : i32
      %scan3A_12 = arith.constant 1 : i32
      scf.for %scan3A_53 = %scan3A_9 to %scan3A_11 step %scan3A_12  : i32 {
        %mul3A_54 = arith.constant 16 : i32
        %mul3A_55 = arith.muli %scan3A_53, %mul3A_54 : i32
        %multiple_of3A_56 = tpu.assume_multiple %mul3A_55, 16 : i32
        %get3A_57 = arith.index_cast %multiple_of3A_56 : i32 to index
        %get3A_58 = tpu.vector_load %arg6[%get3A_57] {strides = array<i32>} : memref<4096xf32, #tpu.memory_space<vmem>>, vector<16xf32>,
        %ne3A_59 = arith.cmpf one, %get3A_58, %get3A_58 : vector<16xf32>
        %jit3A_60 = arith.constant 1.000000e+00 : f32
        %broadcast_in_dim3A_61 = vector.broadcast %jit3A_60 : f32 to vector<16xf32>
        %select_n3A_62 = arith.select %ne3A_59, %broadcast_in_dim3A_61, %get3A_58 : vector<16xi1>, vector<16xf32>
        %swap3A = arith.index_cast %multiple_of3A_56 : i32 to index
        %swap3A_63 = tpu.vector_load %arg6[%swap3A] {strides = array<i32>} : memref<4096xf32, #tpu.memory_space<vmem>>, vector<16xf32>,
        tpu.vector_store %arg6[%swap3A], %select_n3A_62 {strides = array<i32>} : memref<4096xf32, #tpu.memory_space<vmem>>, vector<16xf32>,
      }
      %scan3A_13 = arith.constant 256 : i32
      %jit3A = arith.constant 16 : i32
      %div3A = arith.divsi %add3A_8, %jit3A : i32
      %sign3A = arith.constant 0 : i32
      %sign3A_14 = arith.cmpi sgt, %add3A_8, %sign3A : i32
      %sign3A_15 = arith.extui %sign3A_14 : i1 to i32
      %sign3A_16 = arith.constant 0 : i32
      %sign3A_17 = arith.cmpi slt, %add3A_8, %sign3A_16 : i32
      %sign3A_18 = arith.extui %sign3A_17 : i1 to i32
      %sign3A_19 = arith.subi %sign3A_15, %sign3A_18 : i32
      %sign3A_20 = arith.constant 0 : i32
      %sign3A_21 = arith.cmpi sgt, %jit3A, %sign3A_20 : i32
      %sign3A_22 = arith.extui %sign3A_21 : i1 to i32
      %sign3A_23 = arith.constant 0 : i32
      %sign3A_24 = arith.cmpi slt, %jit3A, %sign3A_23 : i32
      %sign3A_25 = arith.extui %sign3A_24 : i1 to i32
      %sign3A_26 = arith.subi %sign3A_22, %sign3A_25 : i32
      %ne3A = arith.cmpi ne, %sign3A_19, %sign3A_26 : i32
      %rem3A = arith.remsi %add3A_8, %jit3A : i32
      %ne3A_27 = arith.constant 0 : i32
      %ne3A_28 = arith.cmpi ne, %rem3A, %ne3A_27 : i32
      %and3A = arith.andi %ne3A, %ne3A_28 : i1
      %sub3A = arith.constant 1 : i32
      %sub3A_29 = arith.subi %div3A, %sub3A : i32
      %select_n3A = arith.select %and3A, %sub3A_29, %div3A : i32
      %mul3A_30 = arith.constant 16 : i32
      %mul3A_31 = arith.muli %select_n3A, %mul3A_30 : i32
      %multiple_of3A = tpu.assume_multiple %mul3A_31, 16 : i32
      %get3A = arith.index_cast %multiple_of3A : i32 to index
      %get3A_32 = tpu.vector_load %arg7[%get3A] {strides = array<i32>} : memref<64xf32, #tpu.memory_space<vmem>>, vector<16xf32>,
      %sub3A_33 = arith.subi %add3A_8, %multiple_of3A : i32
      %eq3A = vector.broadcast %sub3A_33 : i32 to vector<16xi32>
      %eq3A_34 = arith.cmpi eq, %iota3A, %eq3A : vector<16xi32>
      %jit3A_35 = arith.constant 0.000000e+00 : f32
      %broadcast_in_dim3A = vector.broadcast %jit3A_35 : f32 to vector<16xf32>
      %select_n3A_36 = arith.select %eq3A_34, %get3A_32, %broadcast_in_dim3A : vector<16xi1>, vector<16xf32>
      %reduce_sum3A = arith.constant true
      %reduce_sum3A_37 = vector.broadcast %reduce_sum3A : i1 to vector<16xi1>
      %reduce_sum3A_38 = tpu.scan <sum>, %select_n3A_36 masked %reduce_sum3A_37 : vector<16xf32>, vector<16xi1> -> vector<16xf32>
      %reduce_sum3A_39 = vector.extract %reduce_sum3A_38[15] : f32 from vector<16xf32>
      %dma_start3A = arith.constant 0 : i32
      %dma_start3A_40 = arith.constant 0 : i32
      %dma_start3A_41 = tpu.memref_slice %arg4[%add3A_8, %dma_start3A, %dma_start3A_40] : memref<64x64x4096xf32, #tpu.memory_space<hbm>> -> memref<1x8x4096xf32, #tpu.memory_space<hbm>>
      %dma_start3A_42 = tpu.memref_squeeze %dma_start3A_41 : memref<1x8x4096xf32, #tpu.memory_space<hbm>> -> memref<8x4096xf32, #tpu.memory_space<hbm>>
      %dma_start3A_43 = arith.constant 0 : i32
      %dma_start3A_44 = arith.constant 0 : i32
      %dma_start3A_45 = tpu.memref_slice %arg4[%add3A_8, %dma_start3A_43, %dma_start3A_44] : memref<64x64x4096xf32, #tpu.memory_space<hbm>> -> memref<1x8x4096xf32, #tpu.memory_space<hbm>>
      %dma_start3A_46 = tpu.memref_squeeze %dma_start3A_45 : memref<1x8x4096xf32, #tpu.memory_space<hbm>> -> memref<8x4096xf32, #tpu.memory_space<hbm>>
      tpu.enqueue_dma source(%dma_start3A_46 : memref<8x4096xf32, #tpu.memory_space<hbm>>) target(%arg9 : memref<8x4096xf32, #tpu.memory_space<vmem>>) target_semaphore(%arg11 : memref<!tpu.dma_semaphore, #tpu.memory_space<semaphore_mem>>)
      %scan3A_47 = arith.constant 0 : i32
      %scan3A_48 = arith.constant 0 : i32
      %scan3A_49 = arith.constant 4 : i32
      %scan3A_50 = arith.addi %scan3A_48, %scan3A_49 : i32
      %scan3A_51 = arith.constant 1 : i32
      scf.for %scan3A_53 = %scan3A_48 to %scan3A_50 step %scan3A_51  : i32 {
        %mul3A_54 = arith.constant 2 : i32
        %mul3A_55 = arith.muli %scan3A_53, %mul3A_54 : i32
        %mul3A_56 = arith.constant 8 : i32
        %mul3A_57 = arith.muli %mul3A_55, %mul3A_56 : i32
        %multiple_of3A_58 = tpu.assume_multiple %mul3A_57, 16 : i32
        %add3A_59 = arith.constant 8 : i32
        %add3A_60 = arith.addi %multiple_of3A_58, %add3A_59 : i32
        %dma_start3A_61 = arith.constant 0 : i32
        %dma_start3A_62 = tpu.memref_slice %arg4[%add3A_8, %add3A_60, %dma_start3A_61] : memref<64x64x4096xf32, #tpu.memory_space<hbm>> -> memref<1x8x4096xf32, #tpu.memory_space<hbm>>
        %dma_start3A_63 = tpu.memref_squeeze %dma_start3A_62 : memref<1x8x4096xf32, #tpu.memory_space<hbm>> -> memref<8x4096xf32, #tpu.memory_space<hbm>>
        %dma_start3A_64 = arith.constant 0 : i32
        %dma_start3A_65 = tpu.memref_slice %arg4[%add3A_8, %add3A_60, %dma_start3A_64] : memref<64x64x4096xf32, #tpu.memory_space<hbm>> -> memref<1x8x4096xf32, #tpu.memory_space<hbm>>
        %dma_start3A_66 = tpu.memref_squeeze %dma_start3A_65 : memref<1x8x4096xf32, #tpu.memory_space<hbm>> -> memref<8x4096xf32, #tpu.memory_space<hbm>>
        tpu.enqueue_dma source(%dma_start3A_66 : memref<8x4096xf32, #tpu.memory_space<hbm>>) target(%arg10 : memref<8x4096xf32, #tpu.memory_space<vmem>>) target_semaphore(%arg12 : memref<!tpu.dma_semaphore, #tpu.memory_space<semaphore_mem>>)
        %dma_wait3A = arith.constant 0 : i32
        %dma_wait3A_67 = tpu.memref_slice %arg4[%add3A_8, %multiple_of3A_58, %dma_wait3A] : memref<64x64x4096xf32, #tpu.memory_space<hbm>> -> memref<1x8x4096xf32, #tpu.memory_space<hbm>>
        %dma_wait3A_68 = tpu.memref_squeeze %dma_wait3A_67 : memref<1x8x4096xf32, #tpu.memory_space<hbm>> -> memref<8x4096xf32, #tpu.memory_space<hbm>>
        %dma_wait3A_69 = arith.constant 0 : i32
        %dma_wait3A_70 = tpu.memref_slice %arg4[%add3A_8, %multiple_of3A_58, %dma_wait3A_69] : memref<64x64x4096xf32, #tpu.memory_space<hbm>> -> memref<1x8x4096xf32, #tpu.memory_space<hbm>>
        %dma_wait3A_71 = tpu.memref_squeeze %dma_wait3A_70 : memref<1x8x4096xf32, #tpu.memory_space<hbm>> -> memref<8x4096xf32, #tpu.memory_space<hbm>>
        tpu.wait_dma2 semaphore(%arg11 : memref<!tpu.dma_semaphore, #tpu.memory_space<semaphore_mem>>) src(%dma_wait3A_71 : memref<8x4096xf32, #tpu.memory_space<hbm>>) dst(%arg9 : memref<8x4096xf32, #tpu.memory_space<vmem>>)
        %broadcast_in_dim3A_72 = arith.constant 0.000000e+00 : f32
        %broadcast_in_dim3A_73 = vector.broadcast %broadcast_in_dim3A_72 : f32 to vector<16xf32>
        %broadcast_in_dim3A_74 = arith.constant 0.000000e+00 : f32
        %broadcast_in_dim3A_75 = vector.broadcast %broadcast_in_dim3A_74 : f32 to vector<16xf32>
        %broadcast_in_dim3A_76 = arith.constant 0.000000e+00 : f32
        %broadcast_in_dim3A_77 = vector.broadcast %broadcast_in_dim3A_76 : f32 to vector<16xf32>
        %broadcast_in_dim3A_78 = arith.constant 0.000000e+00 : f32
        %broadcast_in_dim3A_79 = vector.broadcast %broadcast_in_dim3A_78 : f32 to vector<16xf32>
        %broadcast_in_dim3A_80 = arith.constant 0.000000e+00 : f32
        %broadcast_in_dim3A_81 = vector.broadcast %broadcast_in_dim3A_80 : f32 to vector<16xf32>
        %broadcast_in_dim3A_82 = arith.constant 0.000000e+00 : f32
        %broadcast_in_dim3A_83 = vector.broadcast %broadcast_in_dim3A_82 : f32 to vector<16xf32>
        %broadcast_in_dim3A_84 = arith.constant 0.000000e+00 : f32
        %broadcast_in_dim3A_85 = vector.broadcast %broadcast_in_dim3A_84 : f32 to vector<16xf32>
        %broadcast_in_dim3A_86 = arith.constant 0.000000e+00 : f32
        %broadcast_in_dim3A_87 = vector.broadcast %broadcast_in_dim3A_86 : f32 to vector<16xf32>
        %broadcast_in_dim3A_88 = arith.constant 0.000000e+00 : f32
        %broadcast_in_dim3A_89 = vector.broadcast %broadcast_in_dim3A_88 : f32 to vector<16xf32>
        %scan3A_90 = arith.constant 0 : i32
        %scan3A_91 = arith.constant 256 : i32
        %scan3A_92 = arith.addi %scan3A_90, %scan3A_91 : i32
        %scan3A_93 = arith.constant 1 : i32
        %scan3A_94:8 = scf.for %scan3A_279 = %scan3A_90 to %scan3A_92 step %scan3A_93 iter_args(%scan3A_280 = %broadcast_in_dim3A_75, %scan3A_281 = %broadcast_in_dim3A_77, %scan3A_282 = %broadcast_in_dim3A_79, %scan3A_283 = %broadcast_in_dim3A_81, %scan3A_284 = %broadcast_in_dim3A_83, %scan3A_285 = %broadcast_in_dim3A_85, %scan3A_286 = %broadcast_in_dim3A_87, %scan3A_287 = %broadcast_in_dim3A_89) -> (vector<16xf32>, vector<16xf32>, vector<16xf32>, vector<16xf32>, vector<16xf32>, vector<16xf32>, vector<16xf32>, vector<16xf32>)  : i32 {
          %mul3A_288 = arith.constant 16 : i32
          %mul3A_289 = arith.muli %scan3A_279, %mul3A_288 : i32
          %multiple_of3A_290 = tpu.assume_multiple %mul3A_289, 16 : i32
          %get3A_291 = arith.index_cast %multiple_of3A_290 : i32 to index
          %get3A_292 = tpu.vector_load %arg6[%get3A_291] {strides = array<i32>} : memref<4096xf32, #tpu.memory_space<vmem>>, vector<16xf32>,
          %get3A_293 = arith.constant 0 : i32
          %get3A_294 = arith.index_cast %get3A_293 : i32 to index
          %get3A_295 = arith.index_cast %multiple_of3A_290 : i32 to index
          %get3A_296 = tpu.vector_load %arg9[%get3A_294, %get3A_295] {strides = array<i32>} : memref<8x4096xf32, #tpu.memory_space<vmem>>, vector<16xf32>,
          %mul3A_297 = arith.mulf %get3A_296, %get3A_292 : vector<16xf32>
          %add3A_298 = arith.addf %scan3A_280, %mul3A_297 : vector<16xf32>
          %get3A_299 = arith.constant 1 : i32
          %get3A_300 = arith.index_cast %get3A_299 : i32 to index
          %get3A_301 = arith.index_cast %multiple_of3A_290 : i32 to index
          %get3A_302 = tpu.vector_load %arg9[%get3A_300, %get3A_301] {strides = array<i32>} : memref<8x4096xf32, #tpu.memory_space<vmem>>, vector<16xf32>,
          %mul3A_303 = arith.mulf %get3A_302, %get3A_292 : vector<16xf32>
          %add3A_304 = arith.addf %scan3A_281, %mul3A_303 : vector<16xf32>
          %get3A_305 = arith.constant 2 : i32
          %get3A_306 = arith.index_cast %get3A_305 : i32 to index
          %get3A_307 = arith.index_cast %multiple_of3A_290 : i32 to index
          %get3A_308 = tpu.vector_load %arg9[%get3A_306, %get3A_307] {strides = array<i32>} : memref<8x4096xf32, #tpu.memory_space<vmem>>, vector<16xf32>,
          %mul3A_309 = arith.mulf %get3A_308, %get3A_292 : vector<16xf32>
          %add3A_310 = arith.addf %scan3A_282, %mul3A_309 : vector<16xf32>
          %get3A_311 = arith.constant 3 : i32
          %get3A_312 = arith.index_cast %get3A_311 : i32 to index
          %get3A_313 = arith.index_cast %multiple_of3A_290 : i32 to index
          %get3A_314 = tpu.vector_load %arg9[%get3A_312, %get3A_313] {strides = array<i32>} : memref<8x4096xf32, #tpu.memory_space<vmem>>, vector<16xf32>,
          %mul3A_315 = arith.mulf %get3A_314, %get3A_292 : vector<16xf32>
          %add3A_316 = arith.addf %scan3A_283, %mul3A_315 : vector<16xf32>
          %get3A_317 = arith.constant 4 : i32
          %get3A_318 = arith.index_cast %get3A_317 : i32 to index
          %get3A_319 = arith.index_cast %multiple_of3A_290 : i32 to index
          %get3A_320 = tpu.vector_load %arg9[%get3A_318, %get3A_319] {strides = array<i32>} : memref<8x4096xf32, #tpu.memory_space<vmem>>, vector<16xf32>,
          %mul3A_321 = arith.mulf %get3A_320, %get3A_292 : vector<16xf32>
          %add3A_322 = arith.addf %scan3A_284, %mul3A_321 : vector<16xf32>
          %get3A_323 = arith.constant 5 : i32
          %get3A_324 = arith.index_cast %get3A_323 : i32 to index
          %get3A_325 = arith.index_cast %multiple_of3A_290 : i32 to index
          %get3A_326 = tpu.vector_load %arg9[%get3A_324, %get3A_325] {strides = array<i32>} : memref<8x4096xf32, #tpu.memory_space<vmem>>, vector<16xf32>,
          %mul3A_327 = arith.mulf %get3A_326, %get3A_292 : vector<16xf32>
          %add3A_328 = arith.addf %scan3A_285, %mul3A_327 : vector<16xf32>
          %get3A_329 = arith.constant 6 : i32
          %get3A_330 = arith.index_cast %get3A_329 : i32 to index
          %get3A_331 = arith.index_cast %multiple_of3A_290 : i32 to index
          %get3A_332 = tpu.vector_load %arg9[%get3A_330, %get3A_331] {strides = array<i32>} : memref<8x4096xf32, #tpu.memory_space<vmem>>, vector<16xf32>,
          %mul3A_333 = arith.mulf %get3A_332, %get3A_292 : vector<16xf32>
          %add3A_334 = arith.addf %scan3A_286, %mul3A_333 : vector<16xf32>
          %get3A_335 = arith.constant 7 : i32
          %get3A_336 = arith.index_cast %get3A_335 : i32 to index
          %get3A_337 = arith.index_cast %multiple_of3A_290 : i32 to index
          %get3A_338 = tpu.vector_load %arg9[%get3A_336, %get3A_337] {strides = array<i32>} : memref<8x4096xf32, #tpu.memory_space<vmem>>, vector<16xf32>,
          %mul3A_339 = arith.mulf %get3A_338, %get3A_292 : vector<16xf32>
          %add3A_340 = arith.addf %scan3A_287, %mul3A_339 : vector<16xf32>
          scf.yield %add3A_298, %add3A_304, %add3A_310, %add3A_316, %add3A_322, %add3A_328, %add3A_334, %add3A_340 : vector<16xf32>, vector<16xf32>, vector<16xf32>, vector<16xf32>, vector<16xf32>, vector<16xf32>, vector<16xf32>, vector<16xf32>
        }
        %scan3A_95 = arith.constant 256 : i32
        %eq3A_96 = arith.constant 0 : i32
        %eq3A_97 = vector.broadcast %eq3A_96 : i32 to vector<16xi32>
        %eq3A_98 = arith.cmpi eq, %iota3A, %eq3A_97 : vector<16xi32>
        %reduce_sum3A_99 = arith.constant true
        %reduce_sum3A_100 = vector.broadcast %reduce_sum3A_99 : i1 to vector<16xi1>
        %reduce_sum3A_101 = tpu.scan <sum>, %scan3A_94#0 masked %reduce_sum3A_100 : vector<16xf32>, vector<16xi1> -> vector<16xf32>
        %reduce_sum3A_102 = vector.extract %reduce_sum3A_101[15] : f32 from vector<16xf32>
        %broadcast_in_dim3A_103 = vector.broadcast %reduce_sum3A_102 : f32 to vector<16xf32>
        %select_n3A_104 = arith.select %eq3A_98, %broadcast_in_dim3A_103, %broadcast_in_dim3A_73 : vector<16xi1>, vector<16xf32>
        %eq3A_105 = arith.constant 1 : i32
        %eq3A_106 = vector.broadcast %eq3A_105 : i32 to vector<16xi32>
        %eq3A_107 = arith.cmpi eq, %iota3A, %eq3A_106 : vector<16xi32>
        %reduce_sum3A_108 = arith.constant true
        %reduce_sum3A_109 = vector.broadcast %reduce_sum3A_108 : i1 to vector<16xi1>
        %reduce_sum3A_110 = tpu.scan <sum>, %scan3A_94#1 masked %reduce_sum3A_109 : vector<16xf32>, vector<16xi1> -> vector<16xf32>
        %reduce_sum3A_111 = vector.extract %reduce_sum3A_110[15] : f32 from vector<16xf32>
        %broadcast_in_dim3A_112 = vector.broadcast %reduce_sum3A_111 : f32 to vector<16xf32>
        %select_n3A_113 = arith.select %eq3A_107, %broadcast_in_dim3A_112, %select_n3A_104 : vector<16xi1>, vector<16xf32>
        %eq3A_114 = arith.constant 2 : i32
        %eq3A_115 = vector.broadcast %eq3A_114 : i32 to vector<16xi32>
        %eq3A_116 = arith.cmpi eq, %iota3A, %eq3A_115 : vector<16xi32>
        %reduce_sum3A_117 = arith.constant true
        %reduce_sum3A_118 = vector.broadcast %reduce_sum3A_117 : i1 to vector<16xi1>
        %reduce_sum3A_119 = tpu.scan <sum>, %scan3A_94#2 masked %reduce_sum3A_118 : vector<16xf32>, vector<16xi1> -> vector<16xf32>
        %reduce_sum3A_120 = vector.extract %reduce_sum3A_119[15] : f32 from vector<16xf32>
        %broadcast_in_dim3A_121 = vector.broadcast %reduce_sum3A_120 : f32 to vector<16xf32>
        %select_n3A_122 = arith.select %eq3A_116, %broadcast_in_dim3A_121, %select_n3A_113 : vector<16xi1>, vector<16xf32>
        %eq3A_123 = arith.constant 3 : i32
        %eq3A_124 = vector.broadcast %eq3A_123 : i32 to vector<16xi32>
        %eq3A_125 = arith.cmpi eq, %iota3A, %eq3A_124 : vector<16xi32>
        %reduce_sum3A_126 = arith.constant true
        %reduce_sum3A_127 = vector.broadcast %reduce_sum3A_126 : i1 to vector<16xi1>
        %reduce_sum3A_128 = tpu.scan <sum>, %scan3A_94#3 masked %reduce_sum3A_127 : vector<16xf32>, vector<16xi1> -> vector<16xf32>
        %reduce_sum3A_129 = vector.extract %reduce_sum3A_128[15] : f32 from vector<16xf32>
        %broadcast_in_dim3A_130 = vector.broadcast %reduce_sum3A_129 : f32 to vector<16xf32>
        %select_n3A_131 = arith.select %eq3A_125, %broadcast_in_dim3A_130, %select_n3A_122 : vector<16xi1>, vector<16xf32>
        %eq3A_132 = arith.constant 4 : i32
        %eq3A_133 = vector.broadcast %eq3A_132 : i32 to vector<16xi32>
        %eq3A_134 = arith.cmpi eq, %iota3A, %eq3A_133 : vector<16xi32>
        %reduce_sum3A_135 = arith.constant true
        %reduce_sum3A_136 = vector.broadcast %reduce_sum3A_135 : i1 to vector<16xi1>
        %reduce_sum3A_137 = tpu.scan <sum>, %scan3A_94#4 masked %reduce_sum3A_136 : vector<16xf32>, vector<16xi1> -> vector<16xf32>
        %reduce_sum3A_138 = vector.extract %reduce_sum3A_137[15] : f32 from vector<16xf32>
        %broadcast_in_dim3A_139 = vector.broadcast %reduce_sum3A_138 : f32 to vector<16xf32>
        %select_n3A_140 = arith.select %eq3A_134, %broadcast_in_dim3A_139, %select_n3A_131 : vector<16xi1>, vector<16xf32>
        %eq3A_141 = arith.constant 5 : i32
        %eq3A_142 = vector.broadcast %eq3A_141 : i32 to vector<16xi32>
        %eq3A_143 = arith.cmpi eq, %iota3A, %eq3A_142 : vector<16xi32>
        %reduce_sum3A_144 = arith.constant true
        %reduce_sum3A_145 = vector.broadcast %reduce_sum3A_144 : i1 to vector<16xi1>
        %reduce_sum3A_146 = tpu.scan <sum>, %scan3A_94#5 masked %reduce_sum3A_145 : vector<16xf32>, vector<16xi1> -> vector<16xf32>
        %reduce_sum3A_147 = vector.extract %reduce_sum3A_146[15] : f32 from vector<16xf32>
        %broadcast_in_dim3A_148 = vector.broadcast %reduce_sum3A_147 : f32 to vector<16xf32>
        %select_n3A_149 = arith.select %eq3A_143, %broadcast_in_dim3A_148, %select_n3A_140 : vector<16xi1>, vector<16xf32>
        %eq3A_150 = arith.constant 6 : i32
        %eq3A_151 = vector.broadcast %eq3A_150 : i32 to vector<16xi32>
        %eq3A_152 = arith.cmpi eq, %iota3A, %eq3A_151 : vector<16xi32>
        %reduce_sum3A_153 = arith.constant true
        %reduce_sum3A_154 = vector.broadcast %reduce_sum3A_153 : i1 to vector<16xi1>
        %reduce_sum3A_155 = tpu.scan <sum>, %scan3A_94#6 masked %reduce_sum3A_154 : vector<16xf32>, vector<16xi1> -> vector<16xf32>
        %reduce_sum3A_156 = vector.extract %reduce_sum3A_155[15] : f32 from vector<16xf32>
        %broadcast_in_dim3A_157 = vector.broadcast %reduce_sum3A_156 : f32 to vector<16xf32>
        %select_n3A_158 = arith.select %eq3A_152, %broadcast_in_dim3A_157, %select_n3A_149 : vector<16xi1>, vector<16xf32>
        %eq3A_159 = arith.constant 7 : i32
        %eq3A_160 = vector.broadcast %eq3A_159 : i32 to vector<16xi32>
        %eq3A_161 = arith.cmpi eq, %iota3A, %eq3A_160 : vector<16xi32>
        %reduce_sum3A_162 = arith.constant true
        %reduce_sum3A_163 = vector.broadcast %reduce_sum3A_162 : i1 to vector<16xi1>
        %reduce_sum3A_164 = tpu.scan <sum>, %scan3A_94#7 masked %reduce_sum3A_163 : vector<16xf32>, vector<16xi1> -> vector<16xf32>
        %reduce_sum3A_165 = vector.extract %reduce_sum3A_164[15] : f32 from vector<16xf32>
        %broadcast_in_dim3A_166 = vector.broadcast %reduce_sum3A_165 : f32 to vector<16xf32>
        %select_n3A_167 = arith.select %eq3A_161, %broadcast_in_dim3A_166, %select_n3A_158 : vector<16xi1>, vector<16xf32>
        %lt3A_168 = arith.constant 3 : i32
        %lt3A_169 = arith.cmpi slt, %scan3A_53, %lt3A_168 : i32
        %convert_element_type3A_170 = arith.extui %lt3A_169 : i1 to i32
        %cond3A_171 = arith.constant 0 : i32
        %cond3A_172 = arith.cmpi ne, %convert_element_type3A_170, %cond3A_171 : i32
        scf.if %cond3A_172 {
          %add3A_279 = arith.constant 16 : i32
          %add3A_280 = arith.addi %multiple_of3A_58, %add3A_279 : i32
          %dma_start3A_281 = arith.constant 0 : i32
          %dma_start3A_282 = tpu.memref_slice %arg4[%add3A_8, %add3A_280, %dma_start3A_281] : memref<64x64x4096xf32, #tpu.memory_space<hbm>> -> memref<1x8x4096xf32, #tpu.memory_space<hbm>>
          %dma_start3A_283 = tpu.memref_squeeze %dma_start3A_282 : memref<1x8x4096xf32, #tpu.memory_space<hbm>> -> memref<8x4096xf32, #tpu.memory_space<hbm>>
          %dma_start3A_284 = arith.constant 0 : i32
          %dma_start3A_285 = tpu.memref_slice %arg4[%add3A_8, %add3A_280, %dma_start3A_284] : memref<64x64x4096xf32, #tpu.memory_space<hbm>> -> memref<1x8x4096xf32, #tpu.memory_space<hbm>>
          %dma_start3A_286 = tpu.memref_squeeze %dma_start3A_285 : memref<1x8x4096xf32, #tpu.memory_space<hbm>> -> memref<8x4096xf32, #tpu.memory_space<hbm>>
          tpu.enqueue_dma source(%dma_start3A_286 : memref<8x4096xf32, #tpu.memory_space<hbm>>) target(%arg9 : memref<8x4096xf32, #tpu.memory_space<vmem>>) target_semaphore(%arg11 : memref<!tpu.dma_semaphore, #tpu.memory_space<semaphore_mem>>)
        } else {
        }
        %dma_wait3A_173 = arith.constant 0 : i32
        %dma_wait3A_174 = tpu.memref_slice %arg4[%add3A_8, %add3A_60, %dma_wait3A_173] : memref<64x64x4096xf32, #tpu.memory_space<hbm>> -> memref<1x8x4096xf32, #tpu.memory_space<hbm>>
        %dma_wait3A_175 = tpu.memref_squeeze %dma_wait3A_174 : memref<1x8x4096xf32, #tpu.memory_space<hbm>> -> memref<8x4096xf32, #tpu.memory_space<hbm>>
        %dma_wait3A_176 = arith.constant 0 : i32
        %dma_wait3A_177 = tpu.memref_slice %arg4[%add3A_8, %add3A_60, %dma_wait3A_176] : memref<64x64x4096xf32, #tpu.memory_space<hbm>> -> memref<1x8x4096xf32, #tpu.memory_space<hbm>>
        %dma_wait3A_178 = tpu.memref_squeeze %dma_wait3A_177 : memref<1x8x4096xf32, #tpu.memory_space<hbm>> -> memref<8x4096xf32, #tpu.memory_space<hbm>>
        tpu.wait_dma2 semaphore(%arg12 : memref<!tpu.dma_semaphore, #tpu.memory_space<semaphore_mem>>) src(%dma_wait3A_178 : memref<8x4096xf32, #tpu.memory_space<hbm>>) dst(%arg10 : memref<8x4096xf32, #tpu.memory_space<vmem>>)
        %broadcast_in_dim3A_179 = arith.constant 0.000000e+00 : f32
        %broadcast_in_dim3A_180 = vector.broadcast %broadcast_in_dim3A_179 : f32 to vector<16xf32>
        %broadcast_in_dim3A_181 = arith.constant 0.000000e+00 : f32
        %broadcast_in_dim3A_182 = vector.broadcast %broadcast_in_dim3A_181 : f32 to vector<16xf32>
        %broadcast_in_dim3A_183 = arith.constant 0.000000e+00 : f32
        %broadcast_in_dim3A_184 = vector.broadcast %broadcast_in_dim3A_183 : f32 to vector<16xf32>
        %broadcast_in_dim3A_185 = arith.constant 0.000000e+00 : f32
        %broadcast_in_dim3A_186 = vector.broadcast %broadcast_in_dim3A_185 : f32 to vector<16xf32>
        %broadcast_in_dim3A_187 = arith.constant 0.000000e+00 : f32
        %broadcast_in_dim3A_188 = vector.broadcast %broadcast_in_dim3A_187 : f32 to vector<16xf32>
        %broadcast_in_dim3A_189 = arith.constant 0.000000e+00 : f32
        %broadcast_in_dim3A_190 = vector.broadcast %broadcast_in_dim3A_189 : f32 to vector<16xf32>
        %broadcast_in_dim3A_191 = arith.constant 0.000000e+00 : f32
        %broadcast_in_dim3A_192 = vector.broadcast %broadcast_in_dim3A_191 : f32 to vector<16xf32>
        %broadcast_in_dim3A_193 = arith.constant 0.000000e+00 : f32
        %broadcast_in_dim3A_194 = vector.broadcast %broadcast_in_dim3A_193 : f32 to vector<16xf32>
        %scan3A_195 = arith.constant 0 : i32
        %scan3A_196 = arith.constant 256 : i32
        %scan3A_197 = arith.addi %scan3A_195, %scan3A_196 : i32
        %scan3A_198 = arith.constant 1 : i32
        %scan3A_199:8 = scf.for %scan3A_279 = %scan3A_195 to %scan3A_197 step %scan3A_198 iter_args(%scan3A_280 = %broadcast_in_dim3A_180, %scan3A_281 = %broadcast_in_dim3A_182, %scan3A_282 = %broadcast_in_dim3A_184, %scan3A_283 = %broadcast_in_dim3A_186, %scan3A_284 = %broadcast_in_dim3A_188, %scan3A_285 = %broadcast_in_dim3A_190, %scan3A_286 = %broadcast_in_dim3A_192, %scan3A_287 = %broadcast_in_dim3A_194) -> (vector<16xf32>, vector<16xf32>, vector<16xf32>, vector<16xf32>, vector<16xf32>, vector<16xf32>, vector<16xf32>, vector<16xf32>)  : i32 {
          %mul3A_288 = arith.constant 16 : i32
          %mul3A_289 = arith.muli %scan3A_279, %mul3A_288 : i32
          %multiple_of3A_290 = tpu.assume_multiple %mul3A_289, 16 : i32
          %get3A_291 = arith.index_cast %multiple_of3A_290 : i32 to index
          %get3A_292 = tpu.vector_load %arg6[%get3A_291] {strides = array<i32>} : memref<4096xf32, #tpu.memory_space<vmem>>, vector<16xf32>,
          %get3A_293 = arith.constant 0 : i32
          %get3A_294 = arith.index_cast %get3A_293 : i32 to index
          %get3A_295 = arith.index_cast %multiple_of3A_290 : i32 to index
          %get3A_296 = tpu.vector_load %arg10[%get3A_294, %get3A_295] {strides = array<i32>} : memref<8x4096xf32, #tpu.memory_space<vmem>>, vector<16xf32>,
          %mul3A_297 = arith.mulf %get3A_296, %get3A_292 : vector<16xf32>
          %add3A_298 = arith.addf %scan3A_280, %mul3A_297 : vector<16xf32>
          %get3A_299 = arith.constant 1 : i32
          %get3A_300 = arith.index_cast %get3A_299 : i32 to index
          %get3A_301 = arith.index_cast %multiple_of3A_290 : i32 to index
          %get3A_302 = tpu.vector_load %arg10[%get3A_300, %get3A_301] {strides = array<i32>} : memref<8x4096xf32, #tpu.memory_space<vmem>>, vector<16xf32>,
          %mul3A_303 = arith.mulf %get3A_302, %get3A_292 : vector<16xf32>
          %add3A_304 = arith.addf %scan3A_281, %mul3A_303 : vector<16xf32>
          %get3A_305 = arith.constant 2 : i32
          %get3A_306 = arith.index_cast %get3A_305 : i32 to index
          %get3A_307 = arith.index_cast %multiple_of3A_290 : i32 to index
          %get3A_308 = tpu.vector_load %arg10[%get3A_306, %get3A_307] {strides = array<i32>} : memref<8x4096xf32, #tpu.memory_space<vmem>>, vector<16xf32>,
          %mul3A_309 = arith.mulf %get3A_308, %get3A_292 : vector<16xf32>
          %add3A_310 = arith.addf %scan3A_282, %mul3A_309 : vector<16xf32>
          %get3A_311 = arith.constant 3 : i32
          %get3A_312 = arith.index_cast %get3A_311 : i32 to index
          %get3A_313 = arith.index_cast %multiple_of3A_290 : i32 to index
          %get3A_314 = tpu.vector_load %arg10[%get3A_312, %get3A_313] {strides = array<i32>} : memref<8x4096xf32, #tpu.memory_space<vmem>>, vector<16xf32>,
          %mul3A_315 = arith.mulf %get3A_314, %get3A_292 : vector<16xf32>
          %add3A_316 = arith.addf %scan3A_283, %mul3A_315 : vector<16xf32>
          %get3A_317 = arith.constant 4 : i32
          %get3A_318 = arith.index_cast %get3A_317 : i32 to index
          %get3A_319 = arith.index_cast %multiple_of3A_290 : i32 to index
          %get3A_320 = tpu.vector_load %arg10[%get3A_318, %get3A_319] {strides = array<i32>} : memref<8x4096xf32, #tpu.memory_space<vmem>>, vector<16xf32>,
          %mul3A_321 = arith.mulf %get3A_320, %get3A_292 : vector<16xf32>
          %add3A_322 = arith.addf %scan3A_284, %mul3A_321 : vector<16xf32>
          %get3A_323 = arith.constant 5 : i32
          %get3A_324 = arith.index_cast %get3A_323 : i32 to index
          %get3A_325 = arith.index_cast %multiple_of3A_290 : i32 to index
          %get3A_326 = tpu.vector_load %arg10[%get3A_324, %get3A_325] {strides = array<i32>} : memref<8x4096xf32, #tpu.memory_space<vmem>>, vector<16xf32>,
          %mul3A_327 = arith.mulf %get3A_326, %get3A_292 : vector<16xf32>
          %add3A_328 = arith.addf %scan3A_285, %mul3A_327 : vector<16xf32>
          %get3A_329 = arith.constant 6 : i32
          %get3A_330 = arith.index_cast %get3A_329 : i32 to index
          %get3A_331 = arith.index_cast %multiple_of3A_290 : i32 to index
          %get3A_332 = tpu.vector_load %arg10[%get3A_330, %get3A_331] {strides = array<i32>} : memref<8x4096xf32, #tpu.memory_space<vmem>>, vector<16xf32>,
          %mul3A_333 = arith.mulf %get3A_332, %get3A_292 : vector<16xf32>
          %add3A_334 = arith.addf %scan3A_286, %mul3A_333 : vector<16xf32>
          %get3A_335 = arith.constant 7 : i32
          %get3A_336 = arith.index_cast %get3A_335 : i32 to index
          %get3A_337 = arith.index_cast %multiple_of3A_290 : i32 to index
          %get3A_338 = tpu.vector_load %arg10[%get3A_336, %get3A_337] {strides = array<i32>} : memref<8x4096xf32, #tpu.memory_space<vmem>>, vector<16xf32>,
          %mul3A_339 = arith.mulf %get3A_338, %get3A_292 : vector<16xf32>
          %add3A_340 = arith.addf %scan3A_287, %mul3A_339 : vector<16xf32>
          scf.yield %add3A_298, %add3A_304, %add3A_310, %add3A_316, %add3A_322, %add3A_328, %add3A_334, %add3A_340 : vector<16xf32>, vector<16xf32>, vector<16xf32>, vector<16xf32>, vector<16xf32>, vector<16xf32>, vector<16xf32>, vector<16xf32>
        }
        %scan3A_200 = arith.constant 256 : i32
        %eq3A_201 = arith.constant 8 : i32
        %eq3A_202 = vector.broadcast %eq3A_201 : i32 to vector<16xi32>
        %eq3A_203 = arith.cmpi eq, %iota3A, %eq3A_202 : vector<16xi32>
        %reduce_sum3A_204 = arith.constant true
        %reduce_sum3A_205 = vector.broadcast %reduce_sum3A_204 : i1 to vector<16xi1>
        %reduce_sum3A_206 = tpu.scan <sum>, %scan3A_199#0 masked %reduce_sum3A_205 : vector<16xf32>, vector<16xi1> -> vector<16xf32>
        %reduce_sum3A_207 = vector.extract %reduce_sum3A_206[15] : f32 from vector<16xf32>
        %broadcast_in_dim3A_208 = vector.broadcast %reduce_sum3A_207 : f32 to vector<16xf32>
        %select_n3A_209 = arith.select %eq3A_203, %broadcast_in_dim3A_208, %select_n3A_167 : vector<16xi1>, vector<16xf32>
        %eq3A_210 = arith.constant 9 : i32
        %eq3A_211 = vector.broadcast %eq3A_210 : i32 to vector<16xi32>
        %eq3A_212 = arith.cmpi eq, %iota3A, %eq3A_211 : vector<16xi32>
        %reduce_sum3A_213 = arith.constant true
        %reduce_sum3A_214 = vector.broadcast %reduce_sum3A_213 : i1 to vector<16xi1>
        %reduce_sum3A_215 = tpu.scan <sum>, %scan3A_199#1 masked %reduce_sum3A_214 : vector<16xf32>, vector<16xi1> -> vector<16xf32>
        %reduce_sum3A_216 = vector.extract %reduce_sum3A_215[15] : f32 from vector<16xf32>
        %broadcast_in_dim3A_217 = vector.broadcast %reduce_sum3A_216 : f32 to vector<16xf32>
        %select_n3A_218 = arith.select %eq3A_212, %broadcast_in_dim3A_217, %select_n3A_209 : vector<16xi1>, vector<16xf32>
        %eq3A_219 = arith.constant 10 : i32
        %eq3A_220 = vector.broadcast %eq3A_219 : i32 to vector<16xi32>
        %eq3A_221 = arith.cmpi eq, %iota3A, %eq3A_220 : vector<16xi32>
        %reduce_sum3A_222 = arith.constant true
        %reduce_sum3A_223 = vector.broadcast %reduce_sum3A_222 : i1 to vector<16xi1>
        %reduce_sum3A_224 = tpu.scan <sum>, %scan3A_199#2 masked %reduce_sum3A_223 : vector<16xf32>, vector<16xi1> -> vector<16xf32>
        %reduce_sum3A_225 = vector.extract %reduce_sum3A_224[15] : f32 from vector<16xf32>
        %broadcast_in_dim3A_226 = vector.broadcast %reduce_sum3A_225 : f32 to vector<16xf32>
        %select_n3A_227 = arith.select %eq3A_221, %broadcast_in_dim3A_226, %select_n3A_218 : vector<16xi1>, vector<16xf32>
        %eq3A_228 = arith.constant 11 : i32
        %eq3A_229 = vector.broadcast %eq3A_228 : i32 to vector<16xi32>
        %eq3A_230 = arith.cmpi eq, %iota3A, %eq3A_229 : vector<16xi32>
        %reduce_sum3A_231 = arith.constant true
        %reduce_sum3A_232 = vector.broadcast %reduce_sum3A_231 : i1 to vector<16xi1>
        %reduce_sum3A_233 = tpu.scan <sum>, %scan3A_199#3 masked %reduce_sum3A_232 : vector<16xf32>, vector<16xi1> -> vector<16xf32>
        %reduce_sum3A_234 = vector.extract %reduce_sum3A_233[15] : f32 from vector<16xf32>
        %broadcast_in_dim3A_235 = vector.broadcast %reduce_sum3A_234 : f32 to vector<16xf32>
        %select_n3A_236 = arith.select %eq3A_230, %broadcast_in_dim3A_235, %select_n3A_227 : vector<16xi1>, vector<16xf32>
        %eq3A_237 = arith.constant 12 : i32
        %eq3A_238 = vector.broadcast %eq3A_237 : i32 to vector<16xi32>
        %eq3A_239 = arith.cmpi eq, %iota3A, %eq3A_238 : vector<16xi32>
        %reduce_sum3A_240 = arith.constant true
        %reduce_sum3A_241 = vector.broadcast %reduce_sum3A_240 : i1 to vector<16xi1>
        %reduce_sum3A_242 = tpu.scan <sum>, %scan3A_199#4 masked %reduce_sum3A_241 : vector<16xf32>, vector<16xi1> -> vector<16xf32>
        %reduce_sum3A_243 = vector.extract %reduce_sum3A_242[15] : f32 from vector<16xf32>
        %broadcast_in_dim3A_244 = vector.broadcast %reduce_sum3A_243 : f32 to vector<16xf32>
        %select_n3A_245 = arith.select %eq3A_239, %broadcast_in_dim3A_244, %select_n3A_236 : vector<16xi1>, vector<16xf32>
        %eq3A_246 = arith.constant 13 : i32
        %eq3A_247 = vector.broadcast %eq3A_246 : i32 to vector<16xi32>
        %eq3A_248 = arith.cmpi eq, %iota3A, %eq3A_247 : vector<16xi32>
        %reduce_sum3A_249 = arith.constant true
        %reduce_sum3A_250 = vector.broadcast %reduce_sum3A_249 : i1 to vector<16xi1>
        %reduce_sum3A_251 = tpu.scan <sum>, %scan3A_199#5 masked %reduce_sum3A_250 : vector<16xf32>, vector<16xi1> -> vector<16xf32>
        %reduce_sum3A_252 = vector.extract %reduce_sum3A_251[15] : f32 from vector<16xf32>
        %broadcast_in_dim3A_253 = vector.broadcast %reduce_sum3A_252 : f32 to vector<16xf32>
        %select_n3A_254 = arith.select %eq3A_248, %broadcast_in_dim3A_253, %select_n3A_245 : vector<16xi1>, vector<16xf32>
        %eq3A_255 = arith.constant 14 : i32
        %eq3A_256 = vector.broadcast %eq3A_255 : i32 to vector<16xi32>
        %eq3A_257 = arith.cmpi eq, %iota3A, %eq3A_256 : vector<16xi32>
        %reduce_sum3A_258 = arith.constant true
        %reduce_sum3A_259 = vector.broadcast %reduce_sum3A_258 : i1 to vector<16xi1>
        %reduce_sum3A_260 = tpu.scan <sum>, %scan3A_199#6 masked %reduce_sum3A_259 : vector<16xf32>, vector<16xi1> -> vector<16xf32>
        %reduce_sum3A_261 = vector.extract %reduce_sum3A_260[15] : f32 from vector<16xf32>
        %broadcast_in_dim3A_262 = vector.broadcast %reduce_sum3A_261 : f32 to vector<16xf32>
        %select_n3A_263 = arith.select %eq3A_257, %broadcast_in_dim3A_262, %select_n3A_254 : vector<16xi1>, vector<16xf32>
        %eq3A_264 = arith.constant 15 : i32
        %eq3A_265 = vector.broadcast %eq3A_264 : i32 to vector<16xi32>
        %eq3A_266 = arith.cmpi eq, %iota3A, %eq3A_265 : vector<16xi32>
        %reduce_sum3A_267 = arith.constant true
        %reduce_sum3A_268 = vector.broadcast %reduce_sum3A_267 : i1 to vector<16xi1>
        %reduce_sum3A_269 = tpu.scan <sum>, %scan3A_199#7 masked %reduce_sum3A_268 : vector<16xf32>, vector<16xi1> -> vector<16xf32>
        %reduce_sum3A_270 = vector.extract %reduce_sum3A_269[15] : f32 from vector<16xf32>
        %broadcast_in_dim3A_271 = vector.broadcast %reduce_sum3A_270 : f32 to vector<16xf32>
        %select_n3A_272 = arith.select %eq3A_266, %broadcast_in_dim3A_271, %select_n3A_263 : vector<16xi1>, vector<16xf32>
        %mul3A_273 = vector.broadcast %reduce_sum3A_39 : f32 to vector<16xf32>
        %mul3A_274 = arith.mulf %select_n3A_272, %mul3A_273 : vector<16xf32>
        %mul3A_275 = arith.constant 16 : i32
        %mul3A_276 = arith.muli %scan3A_53, %mul3A_275 : i32
        %multiple_of3A_277 = tpu.assume_multiple %mul3A_276, 16 : i32
        %swap3A = arith.index_cast %multiple_of3A_277 : i32 to index
        %swap3A_278 = tpu.vector_load %arg8[%swap3A] {strides = array<i32>} : memref<64xf32, #tpu.memory_space<vmem>>, vector<16xf32>,
        tpu.vector_store %arg8[%swap3A], %mul3A_274 {strides = array<i32>} : memref<64xf32, #tpu.memory_space<vmem>>, vector<16xf32>,
      }
      %scan3A_52 = arith.constant 4 : i32
      "tpu.region"() ({
        %run_scoped3A = tpu.sem_alloc : memref<!tpu.dma_semaphore, #tpu.memory_space<semaphore_mem>>
        %dma_start3A_53 = arith.constant 0 : i32
        %dma_start3A_54 = tpu.memref_slice %arg5[%add3A_6, %dma_start3A_53] : memref<30x64xf32, #tpu.memory_space<hbm>> -> memref<1x64xf32, #tpu.memory_space<hbm>>
        %dma_start3A_55 = tpu.memref_squeeze %dma_start3A_54 : memref<1x64xf32, #tpu.memory_space<hbm>> -> memref<64xf32, #tpu.memory_space<hbm>>
        %dma_start3A_56 = arith.constant 0 : i32
        %dma_start3A_57 = tpu.memref_slice %arg5[%add3A_6, %dma_start3A_56] : memref<30x64xf32, #tpu.memory_space<hbm>> -> memref<1x64xf32, #tpu.memory_space<hbm>>
        %dma_start3A_58 = tpu.memref_squeeze %dma_start3A_57 : memref<1x64xf32, #tpu.memory_space<hbm>> -> memref<64xf32, #tpu.memory_space<hbm>>
        tpu.enqueue_dma source(%arg8 : memref<64xf32, #tpu.memory_space<vmem>>) target(%dma_start3A_58 : memref<64xf32, #tpu.memory_space<hbm>>) target_semaphore(%run_scoped3A : memref<!tpu.dma_semaphore, #tpu.memory_space<semaphore_mem>>)
        %dma_wait3A = arith.constant 0 : i32
        %dma_wait3A_59 = tpu.memref_slice %arg5[%add3A_6, %dma_wait3A] : memref<30x64xf32, #tpu.memory_space<hbm>> -> memref<1x64xf32, #tpu.memory_space<hbm>>
        %dma_wait3A_60 = tpu.memref_squeeze %dma_wait3A_59 : memref<1x64xf32, #tpu.memory_space<hbm>> -> memref<64xf32, #tpu.memory_space<hbm>>
        %dma_wait3A_61 = arith.constant 0 : i32
        %dma_wait3A_62 = tpu.memref_slice %arg5[%add3A_6, %dma_wait3A_61] : memref<30x64xf32, #tpu.memory_space<hbm>> -> memref<1x64xf32, #tpu.memory_space<hbm>>
        %dma_wait3A_63 = tpu.memref_squeeze %dma_wait3A_62 : memref<1x64xf32, #tpu.memory_space<hbm>> -> memref<64xf32, #tpu.memory_space<hbm>>
        tpu.wait_dma2 semaphore(%run_scoped3A : memref<!tpu.dma_semaphore, #tpu.memory_space<semaphore_mem>>) src(%arg8 : memref<64xf32, #tpu.memory_space<vmem>>) dst(%dma_wait3A_63 : memref<64xf32, #tpu.memory_space<hbm>>)
        tpu.yield
      }) : () -> ()
    } else {
    }
    return
  }
}

module attributes {stable_mosaic.version = 14 : i64} {
  func.func @_tc_body(%arg0: i32, %arg1: memref<64xf32, #tpu.memory_space<smem>>, %arg2: memref<64x4096xf32, #tpu.memory_space<vmem>>, %arg3: memref<2x64x4096xf32, #tpu.memory_space<vmem>>, %arg4: memref<2x1x64xf32, #tpu.memory_space<vmem>>) attributes {dimension_semantics = [#tpu.dimension_semantics<arbitrary>], iteration_bounds = array<i64: 17>, scalar_prefetch = 0 : i64, scratch_operands = 0 : i64, tpu.core_type = #tpu.core_type<tc>, window_params = [{transform_indices = @transform_0, window_bounds = array<i64: 64>}, {pipeline_mode = #tpu.pipeline_mode<synchronous>, transform_indices = @transform_1, window_bounds = array<i64: 64, 4096>}, {transform_indices = @transform_2, window_bounds = array<i64: 2, 64, 4096>}, {transform_indices = @transform_3, window_bounds = array<i64: 2, 1, 64>}]} {
    %mul3A = arith.constant 2 : i32
    %mul3A_0 = arith.muli %arg0, %mul3A : i32
    %add3A = arith.constant 0 : i32
    %add3A_1 = arith.addi %mul3A_0, %add3A : i32
    %get3A = arith.index_cast %add3A_1 : i32 to index
    %get3A_2 = arith.constant 0 : index
    %get3A_3 = vector.load %arg2[%get3A, %get3A_2] : memref<64x4096xf32, #tpu.memory_space<vmem>>, vector<1x4096xf32>
    %get3A_4 = vector.shape_cast %get3A_3 : vector<1x4096xf32> to vector<4096xf32>
    %ne3A = arith.cmpf one, %get3A_4, %get3A_4 : vector<4096xf32>
    %jit3A = arith.constant 1.000000e+00 : f32
    %broadcast_in_dim3A = vector.broadcast %jit3A : f32 to vector<4096xf32>
    %select_n3A = arith.select %ne3A, %broadcast_in_dim3A, %get3A_4 : vector<4096xi1>, vector<4096xf32>
    %mul3A_5 = arith.constant 2 : i32
    %mul3A_6 = arith.muli %arg0, %mul3A_5 : i32
    %add3A_7 = arith.constant 0 : i32
    %add3A_8 = arith.addi %mul3A_6, %add3A_7 : i32
    %get3A_9 = arith.index_cast %add3A_8 : i32 to index
    %get3A_10 = memref.load %arg1[%get3A_9] : memref<64xf32, #tpu.memory_space<smem>>
    %get3A_11 = arith.constant 0 : index
    %get3A_12 = arith.constant 0 : index
    %get3A_13 = arith.constant 0 : index
    %get3A_14 = vector.load %arg3[%get3A_11, %get3A_12, %get3A_13] : memref<2x64x4096xf32, #tpu.memory_space<vmem>>, vector<1x64x4096xf32>
    %get3A_15 = vector.shape_cast %get3A_14 : vector<1x64x4096xf32> to vector<64x4096xf32>
    %broadcast_in_dim3A_16 = vector.shape_cast %select_n3A : vector<4096xf32> to vector<1x4096xf32>
    %mul3A_17 = vector.broadcast %broadcast_in_dim3A_16 : vector<1x4096xf32> to vector<64x4096xf32>
    %mul3A_18 = arith.mulf %get3A_15, %mul3A_17 : vector<64x4096xf32>
    %reduce_sum3A = arith.constant dense<0.000000e+00> : vector<64xf32>
    %reduce_sum3A_19 = vector.multi_reduction <add>, %mul3A_18, %reduce_sum3A [1] : vector<64x4096xf32> to vector<64xf32>
    %broadcast_in_dim3A_20 = vector.shape_cast %reduce_sum3A_19 : vector<64xf32> to vector<1x64xf32>
    %mul3A_21 = vector.broadcast %get3A_10 : f32 to vector<1x64xf32>
    %mul3A_22 = arith.mulf %broadcast_in_dim3A_20, %mul3A_21 : vector<1x64xf32>
    %swap3A = arith.constant 0 : index
    %swap3A_23 = arith.constant 0 : index
    %swap3A_24 = arith.constant 0 : index
    %swap3A_25 = vector.load %arg4[%swap3A, %swap3A_23, %swap3A_24] : memref<2x1x64xf32, #tpu.memory_space<vmem>>, vector<1x1x64xf32>
    %swap3A_26 = vector.shape_cast %swap3A_25 : vector<1x1x64xf32> to vector<1x64xf32>
    %swap3A_27 = vector.shape_cast %mul3A_22 : vector<1x64xf32> to vector<1x1x64xf32>
    tpu.vector_store %arg4[%swap3A, %swap3A_23, %swap3A_24], %swap3A_27 {strides = array<i32>} : memref<2x1x64xf32, #tpu.memory_space<vmem>>, vector<1x1x64xf32>,
    %mul3A_28 = arith.constant 2 : i32
    %mul3A_29 = arith.muli %arg0, %mul3A_28 : i32
    %add3A_30 = arith.constant 1 : i32
    %add3A_31 = arith.addi %mul3A_29, %add3A_30 : i32
    %get3A_32 = arith.index_cast %add3A_31 : i32 to index
    %get3A_33 = arith.constant 0 : index
    %get3A_34 = vector.load %arg2[%get3A_32, %get3A_33] : memref<64x4096xf32, #tpu.memory_space<vmem>>, vector<1x4096xf32>
    %get3A_35 = vector.shape_cast %get3A_34 : vector<1x4096xf32> to vector<4096xf32>
    %ne3A_36 = arith.cmpf one, %get3A_35, %get3A_35 : vector<4096xf32>
    %jit3A_37 = arith.constant 1.000000e+00 : f32
    %broadcast_in_dim3A_38 = vector.broadcast %jit3A_37 : f32 to vector<4096xf32>
    %select_n3A_39 = arith.select %ne3A_36, %broadcast_in_dim3A_38, %get3A_35 : vector<4096xi1>, vector<4096xf32>
    %mul3A_40 = arith.constant 2 : i32
    %mul3A_41 = arith.muli %arg0, %mul3A_40 : i32
    %add3A_42 = arith.constant 1 : i32
    %add3A_43 = arith.addi %mul3A_41, %add3A_42 : i32
    %get3A_44 = arith.index_cast %add3A_43 : i32 to index
    %get3A_45 = memref.load %arg1[%get3A_44] : memref<64xf32, #tpu.memory_space<smem>>
    %get3A_46 = arith.constant 1 : index
    %get3A_47 = arith.constant 0 : index
    %get3A_48 = arith.constant 0 : index
    %get3A_49 = vector.load %arg3[%get3A_46, %get3A_47, %get3A_48] : memref<2x64x4096xf32, #tpu.memory_space<vmem>>, vector<1x64x4096xf32>
    %get3A_50 = vector.shape_cast %get3A_49 : vector<1x64x4096xf32> to vector<64x4096xf32>
    %broadcast_in_dim3A_51 = vector.shape_cast %select_n3A_39 : vector<4096xf32> to vector<1x4096xf32>
    %mul3A_52 = vector.broadcast %broadcast_in_dim3A_51 : vector<1x4096xf32> to vector<64x4096xf32>
    %mul3A_53 = arith.mulf %get3A_50, %mul3A_52 : vector<64x4096xf32>
    %reduce_sum3A_54 = arith.constant dense<0.000000e+00> : vector<64xf32>
    %reduce_sum3A_55 = vector.multi_reduction <add>, %mul3A_53, %reduce_sum3A_54 [1] : vector<64x4096xf32> to vector<64xf32>
    %broadcast_in_dim3A_56 = vector.shape_cast %reduce_sum3A_55 : vector<64xf32> to vector<1x64xf32>
    %mul3A_57 = vector.broadcast %get3A_45 : f32 to vector<1x64xf32>
    %mul3A_58 = arith.mulf %broadcast_in_dim3A_56, %mul3A_57 : vector<1x64xf32>
    %swap3A_59 = arith.constant 1 : index
    %swap3A_60 = arith.constant 0 : index
    %swap3A_61 = arith.constant 0 : index
    %swap3A_62 = vector.load %arg4[%swap3A_59, %swap3A_60, %swap3A_61] : memref<2x1x64xf32, #tpu.memory_space<vmem>>, vector<1x1x64xf32>
    %swap3A_63 = vector.shape_cast %swap3A_62 : vector<1x1x64xf32> to vector<1x64xf32>
    %swap3A_64 = vector.shape_cast %mul3A_58 : vector<1x64xf32> to vector<1x1x64xf32>
    tpu.vector_store %arg4[%swap3A_59, %swap3A_60, %swap3A_61], %swap3A_64 {strides = array<i32>} : memref<2x1x64xf32, #tpu.memory_space<vmem>>, vector<1x1x64xf32>,
    return
  }
  func.func @transform_0(%arg0: i32) -> i32 {
    %c0_i32 = arith.constant 0 : i32
    %c0_i32_0 = arith.constant 0 : i32
    return %c0_i32 : i32
  }
  func.func @transform_1(%arg0: i32) -> (i32, i32) {
    %c0_i32 = arith.constant 0 : i32
    %c0_i32_0 = arith.constant 0 : i32
    %c0_i32_1 = arith.constant 0 : i32
    return %c0_i32, %c0_i32_0 : i32, i32
  }
  func.func @transform_2(%arg0: i32) -> (i32, i32, i32) {
    %c0_i32 = arith.constant 0 : i32
    %c0_i32_0 = arith.constant 0 : i32
    %c0_i32_1 = arith.constant 0 : i32
    return %arg0, %c0_i32, %c0_i32_0 : i32, i32, i32
  }
  func.func @transform_3(%arg0: i32) -> (i32, i32, i32) {
    %c0_i32 = arith.constant 0 : i32
    %c0_i32_0 = arith.constant 0 : i32
    %c0_i32_1 = arith.constant 0 : i32
    return %arg0, %c0_i32, %c0_i32_0 : i32, i32, i32
  }
}

</mosaic_0001>

<sc_bundles>
// kernel: kernel.4.cloned.1.call-start
scs
__scs_entry_jumppad:
0x0: {  	(pc) =	sbr.rel $0x88, $3  }
0x1: {  	(tag) =	ssettag $0x0;
	lr =	simm.s32 $0x1  }
0x2: {  	[smem:$0x3F9E] =	sst lr;
	_ =	strace $0xD0000000  }
0x3: {  	_ = 	snop  }
0x4: {  	_ = 	snop  }
0x5: {  	_ = 	snop  }
0x6: {  	_ = 	snop  }
0x7: {  	_ = 	snop  }
__scs_overlays_trampoline_lowered:
0x8: {  	[smem:$0x3FAD] =	sst s0  }
0x9: {  	[smem:$0x3FAE] =	sst s1  }
0xa: {  	[smem:$0x3FAF] =	sst s2  }
0xb: {  	[smem:$0x3FB0] =	sst s3  }
0xc: {  	[smem:$0x3FB1] =	sst s4  }
0xd: {  	[smem:$0x3FB2] =	sst s5  }
0xe: {  	[smem:$0x3FB3] =	sst s6  }
0xf: {  	[smem:$0x3FB4] =	sst s7  }
0x10: {  	[smem:$0x3FB5] =	sst s8  }
0x11: {  	[smem:$0x3FB6] =	sst s9;
	s0 =	simm.s32 @!p0 $0x0  }
0x12: {  	s1 =	sld [smem:$0x3F9C];
	s0 =	simm.s32 @p0 $0x1  }
0x13: {  	[smem:$0x3FB7] =	sst s0;
	s0 =	simm.s32 @!p1 $0x0  }
0x14: {  	s2 =	sld [smem:$0x3F9B];
	s0 =	simm.s32 @p1 $0x1  }
0x15: {  	[smem:$0x3FB8] =	sst s0;
	s0 =	simm.s32 @!p2 $0x0  }
0x16: {  	s3 =	sld [smem:$0x3FDB];
	s0 =	simm.s32 @p2 $0x1  }
0x17: {  	s4 =	simm.s32 $0x1BF5;
	[smem:$0x3FBA] =	sst s0  }
0x18: {  	s0 =	sld [smem:$0x3F9D];
	_ =	swait.ge [sflag:s4], $0x0  }
0x19: {  	s7 =	sld [smem:$0x3F9E]  }
0x1a: {  	s8 =	sadd.s32 $0xFFFFE003, lr  }
0x1b: {  	s9 =	sadd.s32 $0xFFFFFEF7, lr;
	s5 =	simm.s32 $0xFFFFFFFF;
	p2 =	slt.u32 s8, $0xFFFFF086  }
0x1c: {  	p1 =	slt.u32 s9, $0xF7A;
	s5 =	simm.s32 @!p2 $0x0  }
0x1d: {  	s5 =	simm.s32 @p1 $0x1;
	p0 =	seq.s32 s7, s2  }
0x1e: {  	s7 =	smul.u32 @!p0 $0xF7A, s2;
	p2 =	seq.s32 @!p0 s5, $0x0  }
0x1f: {  	s9 =	smul.u32 $0xF7A, s1;
	s8 =	simm.s32 @!p0 $0x1BF5;
	p2 =	por !p2, p0  }
0x20: {  	[sflag:s8] =	ssyncset.s32 @!p0 $0xFFFFF086;
	s6 =	sadd.s32 @!p0 s3, s7;
	s7 =	simm.s32 @!p0 $0x108  }
0x21: {  	s3 =	sadd.s32 s3, s9;
	s6 =	sadd.s32 @!p0 $0x88, s6;
	s7 =	simm.s32 @p2 $0x1082  }
0x22: {  	[simem:s7], [sflag:s8] =	dma.local @!p0 [hbm:s6], $0xF7A  }
0x23: {  	s9 =	sor.u32 $0xD0000000, s2;
	s6 =	simm.s32 $0x108;
	_ =	swait.ge @!p0 [sflag:s8], $0x0  }
0x24: {  	s3 =	sadd.s32 $0x88, s3;
	s6 =	simm.s32 @!p1 $0x1082;
	[sflag:s4] =	ssyncset.s32 $0xFFFFF086  }
0x25: {  	[simem:s6], [sflag:s4] =	dma.local [hbm:s3], $0xF7A  }
0x26: {  	[smem:$0x3F9E] =	sst s1;
	(tag) =	ssettag s2;
	_ =	strace s9  }
0x27: {  	s1 =	sld [smem:$0x3FAE]  }
0x28: {  	s2 =	sld [smem:$0x3FAF]  }
0x29: {  	s4 =	sld [smem:$0x3FB1]  }
0x2a: {  	p0 =	seq.s32 s5, $0x0;
	s5 =	sld [smem:$0x3FB2]  }
0x2b: {  	s6 =	sld [smem:$0x3FB3]  }
0x2c: {  	s7 =	sld [smem:$0x3FB4]  }
0x2d: {  	s3 =	simm.s32 $0x108;
	s8 =	sld [smem:$0x3FB5]  }
0x2e: {  	s3 =	simm.s32 @!p0 $0x1082;
	s9 =	sld [smem:$0x3FB6]  }
0x2f: {  	lr =	sadd.s32 s0, s3;
	s0 =	sld [smem:$0x3FAD]  }
0x30: {  	s3 =	sld [smem:$0x3FB0]  }
0x31: {  	[smem:$0x3FB9] =	sst s10  }
0x32: {  	s10 =	sld [smem:$0x3FB7];
	_ =	sdelay $0x3  }
0x33: {  	p0 =	seq.s32 s10, $0x1;
	s10 =	sld [smem:$0x3FB9];
	_ =	sdelay $0x3  }
0x34: {  	[smem:$0x3FB9] =	sst s10  }
0x35: {  	s10 =	sld [smem:$0x3FB8];
	_ =	sdelay $0x3  }
0x36: {  	p1 =	seq.s32 s10, $0x1;
	s10 =	sld [smem:$0x3FB9];
	_ =	sdelay $0x3  }
0x37: {  	[smem:$0x3FB9] =	sst s10  }
0x38: {  	s10 =	sld [smem:$0x3FBA]  }
0x39: {  	_ = 	snop;
	(pc) =	sbr.ind lr, $3  }
0x3a: {  	_ = 	snop  }
0x3b: {  	_ = 	snop  }
0x3c: {  	p2 =	seq.s32 s10, $0x1;
	s10 =	sld [smem:$0x3FB9]  }
0x3d: {  	_ =	shalt  }
0x3e: {  	_ =	shalt  }
0x3f: {  	_ =	shalt  }
0x40: {  	_ =	shalt  }
0x41: {  	_ =	shalt  }
0x42: {  	_ =	shalt  }
0x43: {  	_ =	shalt  }
0x44: {  	_ =	shalt  }
0x45: {  	_ =	shalt  }
0x46: {  	_ =	shalt  }
0x47: {  	_ =	shalt  }
0x48: {  	_ =	shalt  }
0x49: {  	_ =	shalt  }
0x4a: {  	_ =	shalt  }
0x4b: {  	_ =	shalt  }
0x4c: {  	_ =	shalt  }
0x4d: {  	_ =	shalt  }
0x4e: {  	_ =	shalt  }
0x4f: {  	_ =	shalt  }
0x50: {  	_ =	shalt  }
0x51: {  	_ =	shalt  }
0x52: {  	_ =	shalt  }
0x53: {  	_ =	shalt  }
0x54: {  	_ =	shalt  }
0x55: {  	_ =	shalt  }
0x56: {  	_ =	shalt  }
0x57: {  	_ =	shalt  }
0x58: {  	_ =	shalt  }
0x59: {  	_ =	shalt  }
0x5a: {  	_ =	shalt  }
0x5b: {  	_ =	shalt  }
0x5c: {  	_ =	shalt  }
0x5d: {  	_ =	shalt  }
0x5e: {  	_ =	shalt  }
0x5f: {  	_ =	shalt  }
0x60: {  	_ =	shalt  }
0x61: {  	_ =	shalt  }
0x62: {  	_ =	shalt  }
0x63: {  	_ =	shalt  }
0x64: {  	_ =	shalt  }
0x65: {  	_ =	shalt  }
0x66: {  	_ =	shalt  }
0x67: {  	_ =	shalt  }
0x68: {  	_ =	shalt  }
0x69: {  	_ =	shalt  }
0x6a: {  	_ =	shalt  }
0x6b: {  	_ =	shalt  }
0x6c: {  	_ =	shalt  }
0x6d: {  	_ =	shalt  }
0x6e: {  	_ =	shalt  }
0x6f: {  	_ =	shalt  }
0x70: {  	_ =	shalt  }
0x71: {  	_ =	shalt  }
0x72: {  	_ =	shalt  }
0x73: {  	_ =	shalt  }
0x74: {  	_ =	shalt  }
0x75: {  	_ =	shalt  }
0x76: {  	_ =	shalt  }
0x77: {  	_ =	shalt  }
0x78: {  	_ =	shalt  }
0x79: {  	_ =	shalt  }
0x7a: {  	_ =	shalt  }
0x7b: {  	_ =	shalt  }
0x7c: {  	_ =	shalt  }
0x7d: {  	_ =	shalt  }
0x7e: {  	_ =	shalt  }
0x7f: {  	_ =	shalt  }
0x80: {  	_ =	shalt  }
0x81: {  	_ =	shalt  }
0x82: {  	_ =	shalt  }
0x83: {  	_ =	shalt  }
0x84: {  	_ =	shalt  }
0x85: {  	_ =	shalt  }
0x86: {  	_ =	shalt  }
0x87: {  	_ =	shalt  }
.Lfunc_end0:
.L_simem_size_0:
called_computation_lowered:
.L_overlay_start_0:
0x88: {  	s2 =	sld [smem:$0x3FD9]  }
0x89: {  	s3 =	sld [smem:$0x3FFE];
	_ =	sdelay $0x1  }
0x8a: {  	s1 =	srdreg.scid  }
0x8b: {  	s0 =	sand.u32 $0x1, s1  }
0x8c: {  	s14 =	sshll.u32 s0, $0xA;
	s2 =	sadd.s32 s3, s2  }
0x8d: {  	s2 =	sadd.s32 s2, s14  }
0x8e: {  	[smem:$0x3FC5] =	sst s2  }
0x8f: {  	_ = 	snop  }
0x90: {  	s2 =	sld [smem:$0x3FD0];
	_ =	sdelay $0x1  }
0x91: {  	s15 =	sld [smem:$0x3FC9]  }
0x92: {  	s5 =	simm.s32 $0xA;
	s6 =	simm.s32 $0x10;
	s4 =	sld [smem:$0x3FC7]  }
0x93: {  	[smem:s6], [sflag:s5] =	dma.local [hbm:s2], $0x1  }
0x94: {  	_ =	swait.eq [sflag:s5], $0x1  }
0x95: {  	[sflag:s5] =	ssyncset.done $0x0  }
0x96: {  	[sflag:s5] =	ssyncadd.s32 $0xFFFFFFFF  }
0x97: {  	s16 =	sld [smem:$0x11];
	(tm) =	ssettm $0x1  }
0x98: {  	s17 =	sld [smem:$0x3FFB];
	_ =	sdelay $0x3  }
0x99: {  	_ =	strace s17  }
0x9a: {  	s5 =	sld [smem:$0x3FFC];
	_ =	sdelay $0x3  }
0x9b: {  	_ =	strace s5  }
0x9c: {  	s5 =	sld [smem:$0x3FFD];
	_ =	sdelay $0x3  }
0x9d: {  	_ =	strace s5  }
0x9e: {  	_ =	strace $0x8FFFFFFF  }
0x9f: {  	s18 =	sld [smem:$0x3FDB];
	_ =	sdelay $0x1  }
0xa0: {  	s19 =	simm.s32 $_scs_section_size  }
0xa1: {  	s7 =	simm.s32 $_size__tile_overlayer_lowered;
	s8 =	simm.s32 $_tile_overlayer_lowered  }
0xa2: {  	s22 =	simm.s32 $0x1BFF;
	s21 =	sshll.u32 s8, $0x1;
	s5 =	sadd.s32 s19, s18  }
0xa3: {  	s9 =	simm.s32 $0x0;
	s20 =	sshll.u32 s7, $0x1;
	s7 =	sadd.s32 s21, s5  }
0xa4: {  	[timem:s9], [sflag:s22] =	dma.local [hbm:s7], s20  }
0xa5: {  	_ =	swait.ge [sflag:s22], s20  }
0xa6: {  	s6 =	ssub.s32 $0x0, s20;
	[sflag:s22] =	ssyncset.done $0x0  }
0xa7: {  	[sflag:s22] =	ssyncadd.s32 s6;
	_ =	sdelay $0x1  }
0xa8: {  	s23 =	simm.s32 $0x1B8B  }
0xa9: {  	_ =	swait.ge [sflag:s23], $0x1  }
0xaa: {  	[sflag:s23] =	ssyncset.done $0x0  }
0xab: {  	s25 =	simm.s32 $0x1B8E;
	s24 =	sld [smem:$0x3FFE];
	[sflag:s23] =	ssyncadd.s32 $0xFFFFFFFF  }
0xac: {  	s26 =	simm.s32 $execute0_lowered;
	[smem:$0x3FD2] =	sst s25  }
0xad: {  	s7 =	sshll.u32 s26, $0x1;
	_ =	strace $0x80000046;
	[dreg:$0x1] =	wrdreg $0xFFFFFFFF  }
0xae: {  	s28 =	simm.s32 $_size_execute0_lowered;
	s5 =	sadd.s32 s5, s7;
	[dreg:$0x0] =	wrdreg $0x0  }
0xaf: {  	s7 =	sshll.u32 s28, $0x1;
	[dreg:$0x2] =	wrdreg s5  }
0xb0: {  	[dreg:$0x3] =	wrdreg s7  }
0xb1: {  	[dreg:$0x4] =	wrdreg $0xC0  }
0xb2: {  	_ =	task [dreg:s9], $0x5FFFF  }
0xb3: {  	[dreg:$0x1] =	wrdreg $0xFFFFFFFF  }
0xb4: {  	[dreg:$0x0] =	wrdreg $0x60  }
0xb5: {  	[dreg:$0x2] =	wrdreg s15  }
0xb6: {  	[dreg:$0x3] =	wrdreg s16  }
0xb7: {  	[dreg:$0x4] =	wrdreg s4  }
0xb8: {  	[dreg:$0x5] =	wrdreg s24  }
0xb9: {  	[dreg:$0x6] =	wrdreg $0x9  }
0xba: {  	_ =	task.clear_ibuf [dreg:s9], $0x7FFFF;
	_ =	strace $0x90000046  }
0xbb: {  	s29 =	simm.s32 $0x9;
	_ =	strace $0x80000048  }
0xbc: {  	_ =	swait.ge [sflag:s29], $0x1  }
0xbd: {  	[sflag:s29] =	ssyncadd.s32 $0xFFFFFFFF  }
0xbe: {  	_ =	strace $0x90000048  }
0xbf: {  	_ =	sfence  }
0xc0: {  	s30 =	sld [smem:$0x0];
	_ =	sdelay $0x2  }
0xc1: {  	s31 =	sshll.u32 s1, $0xD;
	s1 =	sshrl.u32 s1, $0x2  }
0xc2: {  	s3 =	sand.u32 $0x4000, s31;
	s1 =	sadd.s32 s1, s30  }
0xc3: {  	s0 =	sor.u32 s3, s0;
	s1 =	sshll.u32 s1, $0x11  }
0xc4: {  	s0 =	sor.u32 s1, s0  }
0xc5: {  	s0 =	sadd.s32 $0x8F2B, s0  }
0xc6: {  	[sflag:s0] =	ssyncadd.remote.s32 $0x1  }
0xc7: {  	_ =	sfence.sel $0xFFFF  }
0xc8: {  	[dreg:$0x0] =	wrdreg $0xFFFFFFFF;
	(pc) =	sbr.abs _section_cstart, $3  }
0xc9: {  	[dreg:$0x1] =	wrdreg $0xFFFFFFFF  }
0xca: {  	_ =	task.clear_ibuf [dreg:s9], $0x2FFFF;
	_ =	strace $0x9FFFFFFF  }
0xcb: {  	(tm) =	ssettm $0x7FFFFFFF  }
tec
execute0_lowered:
.L_overlay_start_1:
0x0: {  	(tag) =	ssettag $0x1  }
0x1: {  	s0 =	rddreg [dreg:$0x0]  }
0x2: {  	s1 =	rddreg [dreg:$0x1]  }
0x3: {  	s3 =	rddreg [dreg:$0x2]  }
0x4: {  	s5 =	rddreg [dreg:$0x3]  }
0x5: {  	s6 =	srdreg.scid;
	s2 =	stileid.u32  }
0x6: {  	s4 =	simm.s32 $0x0;
	s14 =	simm.s32 $0x80;
	s15 =	simm.s32 $0x400  }
0x7: {  	s16 =	simm.s32 $0x1100;
	s17 =	simm.s32 $0x9100;
	s18 =	simm.s32 $0x1  }
0x8: {  	s19 =	simm.s32 $0x2;
	s20 =	simm.s32 $0x1080;
	s21 =	simm.s32 $0x0  }
0x9: {  	s22 =	simm.s32 $0x0;
	s6 =	sand.u32 $0x1, s6;
	s7 =	sshll.u32 s2, $0x1  }
0xa: {  	[smem:$0x7FF] =	sst s4;
	p0 =	seq.s32 s2, $0xF;
	s7 =	sor.u32 s6, s7  }
0xb: {  	_ =	strace $0x80000047;
	s6 =	ssub.s32 $0x2, s6;
	s8 =	sadd.s32 $0x22, s7  }
0xc: {  	s7 =	sshll.u32 s7, $0x4;
	s10 =	sshrl.u32 s6, $0x1;
	s9 =	sshll.u32 s8, $0x4  }
0xd: {  	v1 =	vlaneseq.u32;
	vm1 =	vmmov $0x1;
	vm2 =	vmmov $0x3;
	s11 =	sshll.u32 s8, $0x9;
	s30 =	sand.u32 $0xF, s8;
	s12 =	sadd.s32 s7, s5  }
.Ltmp0:
0xe: {  	vm3 =	vmmov $0x7;
	vm4 =	vmmov $0xf;
	vm5 =	vmmov $0x1f;
	s13 =	ssub.s32 s6, s10;
	s6 =	sand.u32 $0x70, s8;
	(pc) =	sbr.rel .LBB2_1-.Ltmp0, $4  }
0xf: {  	vm6 =	vmmov $0x3f;
	vm7 =	vmmov $0x7f;
	vm8 =	vcmask $0x2320;
	s7 =	sshll.u32 s8, $0x12;
	s31 =	sshll.u32 s8, $0xF;
	s9 =	sand.u32 $0x70, s9  }
0x10: {  	vm9 =	vmmov $0x1ff;
	vm10 =	vmmov $0x3ff;
	vm11 =	vmmov $0x7ff;
	s11 =	sand.u32 $0xF000, s11;
	s8 =	sadd.s32 s3, s31;
	s10 =	sadd.s32 $0xA00, s12  }
0x11: {  	vm12 =	vmmov $0xfff;
	vm13 =	vmmov $0x1fff;
	v0 =	vmov s30;
	s12 =	simm.s32 $0x1000;
	s0 =	sadd.s32 s0, s9;
	s9 =	sor.u32 $0x10000, s7  }
0x12: {  	vm14 =	vmmov $0x3fff;
	vm15 =	vmmov $0x7fff;
	vm0 =	veq.s32 v0, v1;
	s5 =	sadd.s32 s11, s0;
	s11 =	smax.u32 s13, $0x1;
	s13 =	simm.s32 $0x3  }
.LBB2_9:
0x13: {  	s21 =	sadd.s32 $0x1, s21  }
0x14: {  	p1 =	sne.s32 s21, s11  }
.Ltmp1:
0x15: {  	_ = 	snop;
	(pc) =	sbr.rel @!p1 .LBB2_10-.Ltmp1, $1  }
0x16: {  	_ =	sdelay $0x3  }
.LBB2_1:
.Ltmp2:
0x17: {  	(pc) =	sbr.rel @p0 .LBB2_9-.Ltmp2, $4  }
0x18: {  	[tilespmem:s12], [sflag:$0x3] =	stream.linear.gather [hbm4b:s1+s4], $0x80, $0x38;
	[tilespmem:$0x11100] =	vst v63  }
0x19: {  	_ =	swait.ge [sflag:s13], $0x80  }
0x1a: {  	[sflag:s13] =	ssyncset.done $0x0  }
0x1b: {  	[sflag:s13] =	ssyncadd.s32 $0xFFFFFF80  }
0x1c: {  	[tilespmem:s22], [sflag:$0x3] =	stream.strided.gather [hbm4b:s5+s14], $0x1000, s15, s14, $0x38;
	[tilespmem:$0x11100] =	vst v63  }
0x1d: {  	_ =	swait.ge [sflag:s13], $0x1000  }
0x1e: {  	[sflag:s13] =	ssyncset.done $0x0  }
0x1f: {  	[sflag:s13] =	ssyncadd.s32 $0xFFFFF000  }
0x20: {  	v0 =	vld [tilespmem:s6+$0x1000];
	_ =	sdelay $0x4  }
0x21: {  	v0 =	vnsel vm0, $0x0, v0  }
0x22: {  	(xrf2) =	vadd.scan.msk.f32 $0xffff, v0;
	_ =	sdelay $0x9  }
0x23: {  	s23 =	simm.s32 $0x0;
	v0, _, _ =	vpop (xrf2)  }
0x24: {  	[tilespmem:s16], [sflag:$0x1] =	stream.linear.gather [hbm4b:s8+s22], $0x8000, $0x38;
	v0 =	vbroadcast v0, $0xF;
	[tilespmem:$0x11100] =	vst v63  }
.LBB2_3:
0x25: {  	s24 =	sshll.u32 s23, $0x10  }
0x26: {  	s0 =	sor.u32 s24, s7  }
0x27: {  	s0 =	sshrl.u32 s0, $0x3  }
0x28: {  	s0 =	sadd.s32 s0, s3  }
0x29: {  	s0 =	sadd.s32 $0x1000, s0  }
0x2a: {  	[tilespmem:s17], [sflag:$0x2] =	stream.linear.gather [hbm4b:s0+s22], $0x8000, $0x38;
	[tilespmem:$0x11100] =	vst v63  }
0x2b: {  	s25 =	sand.u32 $0x7, s22;
	_ =	swait.ge [sflag:s18], $0x8000  }
0x2c: {  	s0 =	sshll.u32 s25, $0x4;
	[sflag:s18] =	ssyncset.done $0x0  }
0x2d: {  	s0 =	sadd.s32 $0x0, s0;
	[sflag:s18] =	ssyncadd.s32 $0xFFFF8000  }
0x2e: {  	s26 =	sand.u32 $0x70, s22;
	s25 =	sand.u32 $0x7C00, s22;
	s0 =	sor.u32 $0x380, s0;
	v2 =	vld [tilespmem:s22+$0x0]  }
0x2f: {  	s25 =	sor.u32 s26, s25;
	v3 =	vld [tilespmem:s0+$0x1100]  }
0x30: {  	v14 =	vld [tilespmem:s25+$0x1100]  }
0x31: {  	v13 =	vld [tilespmem:s25+$0x1180]  }
0x32: {  	v1 =	vimm.f32 $0.0e+00;
	s28 =	simm.s32 $0x10;
	v10 =	vimm.f32 $0.0e+00;
	v8 =	vimm.f32 $0.0e+00;
	v11 =	vld [tilespmem:s25+$0x1200]  }
0x33: {  	v6 =	vimm.f32 $0.0e+00;
	v5 =	vimm.f32 $0.0e+00;
	s30 =	simm.s32 $0x20;
	s29 =	simm.s32 $0x0;
	v7 =	vimm.f32 $0.0e+00;
	s26 =	simm.s32 $0x1;
	v12 =	vld [tilespmem:s25+$0x1280]  }
0x34: {  	v4 =	vimm.f32 $0.0e+00;
	s31 =	sand.u32 $0x70, s28;
	s28 =	simm.s32 $0x0;
	s0 =	sand.u32 $0x7, s26;
	v15 =	vld [tilespmem:s25+$0x1300];
	v9 =	vmul.f32 v3, v2;
	v3 =	vimm.f32 $0.0e+00  }
.LBB2_4:
0x35: {  	p1 =	sne.s32 s30, $0xFF0;
	s0 =	sshll.u32 s0, $0x4;
	v14 =	vmul.f32 v14, v2;
	v16 =	vld [tilespmem:s25+$0x1380];
	s29 =	sadd.s32 $0x80, s29  }
0x36: {  	s28 =	sadd.s32 $0x10, s28;
	s0 =	sadd.s32 s0, s29;
	s2 =	sand.u32 $0x7C00, s29;
	v13 =	vmul.f32 v13, v2;
	v17 =	vld [tilespmem:s25+$0x1400];
	v1 =	vadd.f32 v9, v1  }
0x37: {  	v9 =	vld [tilespmem:s28+$0x0];
	s25 =	sor.u32 s31, s2;
	s0 =	sor.u32 $0x380, s0;
	v10 =	vadd.f32 v14, v10;
	v11 =	vmul.f32 v11, v2  }
0x38: {  	v18 =	vld [tilespmem:s0+$0x1100];
	v8 =	vadd.f32 v13, v8;
	v12 =	vmul.f32 v12, v2  }
.Ltmp3:
0x39: {  	v14 =	vld [tilespmem:s25+$0x1100];
	v6 =	vadd.f32 v11, v6;
	v15 =	vmul.f32 v15, v2;
	(pc) =	sbr.rel @p1 .LBB2_4-.Ltmp3, $4  }
0x3a: {  	v13 =	vld [tilespmem:s25+$0x1180];
	v5 =	vadd.f32 v12, v5;
	v16 =	vmul.f32 v16, v2  }
0x3b: {  	v11 =	vld [tilespmem:s25+$0x1200];
	v7 =	vadd.f32 v15, v7;
	v17 =	vmul.f32 v17, v2  }
0x3c: {  	s26 =	sadd.s32 $0x1, s26;
	v12 =	vld [tilespmem:s25+$0x1280];
	v4 =	vadd.f32 v16, v4;
	v2 =	vmov v9  }
0x3d: {  	s31 =	sand.u32 $0x70, s30;
	s30 =	sadd.s32 $0x10, s30;
	s0 =	sand.u32 $0x7, s26;
	v15 =	vld [tilespmem:s25+$0x1300];
	v9 =	vmul.f32 v18, v2;
	v3 =	vadd.f32 v17, v3  }
0x3e: {  	v16 =	vld [tilespmem:s25+$0x1380];
	s2 =	sadd.s32 $0x80, s29  }
0x3f: {  	v17 =	vld [tilespmem:s25+$0x1400];
	s25 =	sadd.s32 $0x10, s28;
	s26 =	sand.u32 $0x7C00, s2  }
0x40: {  	v18 =	vld [tilespmem:s25+$0x0];
	s31 =	sor.u32 s31, s26  }
0x41: {  	v19 =	vld [tilespmem:s31+$0x1100]  }
0x42: {  	v20 =	vld [tilespmem:s31+$0x1180]  }
0x43: {  	v14 =	vmul.f32 v14, v2;
	v21 =	vld [tilespmem:s31+$0x1200]  }
0x44: {  	v13 =	vmul.f32 v13, v2;
	v22 =	vld [tilespmem:s31+$0x1280]  }
0x45: {  	s0 =	sshll.u32 s0, $0x4;
	v10 =	vadd.f32 v14, v10;
	v11 =	vmul.f32 v11, v2;
	v12 =	vmul.f32 v12, v2;
	v14 =	vld [tilespmem:s31+$0x1300]  }
0x46: {  	s0 =	sadd.s32 s0, s2;
	v8 =	vadd.f32 v13, v8;
	v13 =	vmul.f32 v15, v2;
	v15 =	vmul.f32 v19, v18;
	v19 =	vld [tilespmem:s31+$0x1380]  }
0x47: {  	s0 =	sor.u32 $0x380, s0;
	v6 =	vadd.f32 v11, v6;
	v5 =	vadd.f32 v12, v5;
	v12 =	vld [tilespmem:s31+$0x1400];
	v11 =	vmul.f32 v20, v18  }
0x48: {  	v7 =	vadd.f32 v13, v7;
	v13 =	vld [tilespmem:s0+$0x1100];
	v10 =	vadd.f32 v15, v10;
	v15 =	vmul.f32 v21, v18  }
0x49: {  	v8 =	vadd.f32 v11, v8;
	v11 =	vmul.f32 v16, v2;
	v16 =	vmul.f32 v22, v18  }
0x4a: {  	v14 =	vmul.f32 v14, v18;
	v2 =	vmul.f32 v17, v2;
	v6 =	vadd.f32 v15, v6;
	(xrf2) =	vadd.scan.msk.f32 $0xffff, v10  }
0x4b: {  	v4 =	vadd.f32 v11, v4;
	v5 =	vadd.f32 v16, v5;
	v10 =	vmul.f32 v19, v18;
	(xrf2) =	vadd.scan.msk.f32 $0xffff, v8  }
0x4c: {  	v2 =	vadd.f32 v2, v3;
	v3 =	vadd.f32 v14, v7;
	v7 =	vmul.f32 v12, v18;
	(xrf2) =	vadd.scan.msk.f32 $0xffff, v6  }
0x4d: {  	v1 =	vadd.f32 v9, v1;
	v6 =	vmul.f32 v13, v18;
	v4 =	vadd.f32 v10, v4;
	(xrf2) =	vadd.scan.msk.f32 $0xffff, v5  }
0x4e: {  	v2 =	vadd.f32 v7, v2;
	(xrf2) =	vadd.scan.msk.f32 $0xffff, v3  }
0x4f: {  	v1 =	vadd.f32 v6, v1;
	(xrf2) =	vadd.scan.msk.f32 $0xffff, v4  }
0x50: {  	(xrf2) =	vadd.scan.msk.f32 $0xffff, v2  }
0x51: {  	(xrf2) =	vadd.scan.msk.f32 $0xffff, v1;
	_ =	sdelay $0x2  }
0x52: {  	v1, _, _ =	vpop (xrf2)  }
0x53: {  	v2, _, _ =	vpop (xrf2)  }
0x54: {  	p1 =	seq.s32 s23, $0x3;
	v3, _, _ =	vpop (xrf2)  }
0x55: {  	s0 =	sadd.s32 @!p1 s24, s9;
	v4, _, _ =	vpop (xrf2)  }
0x56: {  	s0 =	sshrl.u32 @!p1 s0, $0x3;
	v5, _, _ =	vpop (xrf2)  }
0x57: {  	s2 =	simm.s32 @!p1 $0x0;
	s24 =	simm.s32 @!p1 $0x1100;
	s0 =	sadd.s32 @!p1 s3, s0;
	v6, _, _ =	vpop (xrf2)  }
0x58: {  	[tilespmem:s24], [sflag:$0x1] =	stream.linear.gather @!p1 [hbm4b:s0+s2], $0x8000, $0x38;
	v7, _, _ =	vpop (xrf2);
	[tilespmem:$0x11100] =	vst v63  }
0x59: {  	s24 =	simm.s32 $0x0;
	v8, _, _ =	vpop (xrf2)  }
0x5a: {  	s2 =	sand.u32 $0x7, s24;
	v1 =	vbroadcast v1, $0xF;
	v2 =	vbroadcast v2, $0xF;
	_ =	swait.ge [sflag:s19], $0x8000  }
0x5b: {  	s0 =	sshll.u32 s2, $0x4;
	v3 =	vbroadcast v3, $0xF;
	[sflag:s19] =	ssyncset.done $0x0  }
0x5c: {  	s0 =	sadd.s32 $0x0, s0;
	v1 =	vsel vm1, v1, v2;
	v2 =	vbroadcast v4, $0xF;
	[sflag:s19] =	ssyncadd.s32 $0xFFFF8000  }
0x5d: {  	s25 =	sand.u32 $0x70, s24;
	s26 =	sand.u32 $0x7C00, s24;
	s0 =	sor.u32 $0x380, s0;
	v1 =	vsel vm2, v1, v3;
	v4 =	vbroadcast v5, $0xF;
	v3 =	vld [tilespmem:s24+$0x0]  }
0x5e: {  	s25 =	sor.u32 s25, s26;
	v1 =	vsel vm3, v1, v2;
	v2 =	vbroadcast v6, $0xF;
	v5 =	vld [tilespmem:s0+$0x9100]  }
0x5f: {  	v9 =	vimm.f32 $0.0e+00;
	v1 =	vsel vm4, v1, v4;
	v4 =	vbroadcast v7, $0xF;
	v15 =	vld [tilespmem:s25+$0x9100]  }
0x60: {  	v11 =	vimm.f32 $0.0e+00;
	v1 =	vsel vm5, v1, v2;
	v2 =	vbroadcast v8, $0xF;
	v14 =	vld [tilespmem:s25+$0x9180]  }
0x61: {  	v10 =	vimm.f32 $0.0e+00;
	v7 =	vimm.f32 $0.0e+00;
	v1 =	vsel vm6, v1, v4;
	v12 =	vld [tilespmem:s25+$0x9200]  }
0x62: {  	s29 =	simm.s32 $0x20;
	s31 =	simm.s32 $0x10;
	s26 =	simm.s32 $0x1;
	v8 =	vimm.f32 $0.0e+00;
	v4 =	vimm.f32 $0.0e+00;
	v1 =	vsel vm7, v1, v2;
	v13 =	vld [tilespmem:s25+$0x9280]  }
0x63: {  	s28 =	simm.s32 $0x0;
	s30 =	sand.u32 $0x7, s26;
	v2 =	vimm.f32 $0.0e+00;
	s0 =	sand.u32 $0x70, s31;
	v16 =	vld [tilespmem:s25+$0x9300];
	v6 =	vmul.f32 v5, v3;
	v5 =	vimm.f32 $0.0e+00  }
.LBB2_6:
0x64: {  	p1 =	sne.s32 s29, $0xFF0;
	s2 =	sshll.u32 s30, $0x4;
	v15 =	vmul.f32 v15, v3;
	v17 =	vld [tilespmem:s25+$0x9380];
	s24 =	sadd.s32 $0x80, s24  }
0x65: {  	s28 =	sadd.s32 $0x10, s28;
	s2 =	sadd.s32 s2, s24;
	s30 =	sand.u32 $0x7C00, s24;
	v14 =	vmul.f32 v14, v3;
	v18 =	vld [tilespmem:s25+$0x9400];
	v2 =	vadd.f32 v6, v2  }
0x66: {  	v6 =	vld [tilespmem:s28+$0x0];
	s25 =	sor.u32 s0, s30;
	s0 =	sor.u32 $0x380, s2;
	v10 =	vadd.f32 v15, v10;
	v12 =	vmul.f32 v12, v3  }
0x67: {  	v19 =	vld [tilespmem:s0+$0x9100];
	v11 =	vadd.f32 v14, v11;
	v13 =	vmul.f32 v13, v3  }
.Ltmp4:
0x68: {  	v15 =	vld [tilespmem:s25+$0x9100];
	v8 =	vadd.f32 v12, v8;
	v16 =	vmul.f32 v16, v3;
	(pc) =	sbr.rel @p1 .LBB2_6-.Ltmp4, $4  }
0x69: {  	v14 =	vld [tilespmem:s25+$0x9180];
	v7 =	vadd.f32 v13, v7;
	v17 =	vmul.f32 v17, v3  }
0x6a: {  	v12 =	vld [tilespmem:s25+$0x9200];
	v9 =	vadd.f32 v16, v9;
	v18 =	vmul.f32 v18, v3  }
0x6b: {  	s26 =	sadd.s32 $0x1, s26;
	v13 =	vld [tilespmem:s25+$0x9280];
	v5 =	vadd.f32 v17, v5;
	v3 =	vmov v6  }
0x6c: {  	s30 =	sand.u32 $0x7, s26;
	s0 =	sand.u32 $0x70, s29;
	s29 =	sadd.s32 $0x10, s29;
	v16 =	vld [tilespmem:s25+$0x9300];
	v6 =	vmul.f32 v19, v3;
	v4 =	vadd.f32 v18, v4  }
0x6d: {  	v17 =	vld [tilespmem:s25+$0x9380];
	s2 =	sadd.s32 $0x80, s24  }
0x6e: {  	v18 =	vld [tilespmem:s25+$0x9400];
	s28 =	sadd.s32 $0x10, s28;
	s24 =	sand.u32 $0x7C00, s2  }
0x6f: {  	v19 =	vld [tilespmem:s28+$0x0];
	s0 =	sor.u32 s0, s24  }
0x70: {  	v20 =	vld [tilespmem:s0+$0x9100]  }
0x71: {  	v21 =	vld [tilespmem:s0+$0x9180]  }
0x72: {  	v15 =	vmul.f32 v15, v3;
	v22 =	vld [tilespmem:s0+$0x9200]  }
0x73: {  	v14 =	vmul.f32 v14, v3;
	v23 =	vld [tilespmem:s0+$0x9280]  }
0x74: {  	v10 =	vadd.f32 v15, v10;
	v12 =	vmul.f32 v12, v3;
	v13 =	vmul.f32 v13, v3;
	v45 =	vld [tilespmem:s0+$0x9300]  }
0x75: {  	s29 =	sshll.u32 s30, $0x4;
	v11 =	vadd.f32 v14, v11;
	v48 =	vld [tilespmem:s0+$0x9380];
	v46 =	vmul.f32 v16, v3;
	v47 =	vmul.f32 v20, v19  }
0x76: {  	s30 =	sadd.s32 s29, s2;
	v50 =	vld [tilespmem:s0+$0x9400];
	v8 =	vadd.f32 v12, v8;
	v7 =	vadd.f32 v13, v7;
	v49 =	vmul.f32 v21, v19  }
0x77: {  	s0 =	sor.u32 $0x380, s30;
	v52 =	vmul.f32 v17, v3;
	v51 =	vmul.f32 v22, v19;
	v10 =	vadd.f32 v47, v10  }
0x78: {  	v54 =	vld [tilespmem:s0+$0x9100];
	v3 =	vmul.f32 v18, v3;
	v53 =	vmul.f32 v23, v19;
	v11 =	vadd.f32 v49, v11  }
0x79: {  	v9 =	vadd.f32 v46, v9;
	v15 =	vmul.f32 v45, v19;
	v8 =	vadd.f32 v51, v8;
	(xrf2) =	vadd.scan.msk.f32 $0xffff, v10  }
0x7a: {  	v5 =	vadd.f32 v52, v5;
	v55 =	vmul.f32 v48, v19;
	v7 =	vadd.f32 v53, v7;
	(xrf2) =	vadd.scan.msk.f32 $0xffff, v11  }
0x7b: {  	v3 =	vadd.f32 v3, v4;
	v57 =	vmul.f32 v50, v19;
	v56 =	vadd.f32 v15, v9;
	(xrf2) =	vadd.scan.msk.f32 $0xffff, v8  }
0x7c: {  	v5 =	vadd.f32 v55, v5;
	(xrf2) =	vadd.scan.msk.f32 $0xffff, v7  }
0x7d: {  	v2 =	vadd.f32 v6, v2;
	v58 =	vmul.f32 v54, v19;
	v3 =	vadd.f32 v57, v3;
	(xrf2) =	vadd.scan.msk.f32 $0xffff, v56  }
0x7e: {  	(xrf2) =	vadd.scan.msk.f32 $0xffff, v5  }
0x7f: {  	v2 =	vadd.f32 v58, v2;
	(xrf2) =	vadd.scan.msk.f32 $0xffff, v3;
	_ =	sdelay $0x3  }
0x80: {  	(xrf2) =	vadd.scan.msk.f32 $0xffff, v2;
	v2, _, _ =	vpop (xrf2)  }
0x81: {  	v3, _, _ =	vpop (xrf2);
	v2 =	vbroadcast v2, $0xF  }
0x82: {  	v59, _, _ =	vpop (xrf2);
	v3 =	vbroadcast v3, $0xF  }
0x83: {  	v60, _, _ =	vpop (xrf2);
	v1 =	vsel vm8, v2, v1;
	v2 =	vbroadcast v59, $0xF  }
0x84: {  	v61, _, _ =	vpop (xrf2);
	v1 =	vsel vm9, v1, v3;
	v3 =	vbroadcast v60, $0xF  }
0x85: {  	v62, _, _ =	vpop (xrf2);
	v1 =	vsel vm10, v1, v2;
	v2 =	vbroadcast v61, $0xF  }
0x86: {  	v63, _, _ =	vpop (xrf2);
	v1 =	vsel vm11, v1, v3  }
0x87: {  	v1 =	vsel vm12, v1, v2;
	v2 =	vbroadcast v63, $0xF  }
0x88: {  	v3 =	vbroadcast v62, $0xF  }
0x89: {  	s31 =	sshll.u32 s23, $0x4;
	s23 =	sadd.s32 $0x1, s23  }
0x8a: {  	p1 =	sne.s32 s23, $0x4;
	v1 =	vsel vm13, v1, v3  }
.Ltmp5:
0x8b: {  	v1 =	vsel vm14, v1, v2;
	v2, _, _ =	vpop (xrf2);
	(pc) =	sbr.rel @p1 .LBB2_3-.Ltmp5, $4  }
0x8c: {  	v1 =	vsel vm15, v1, v2  }
0x8d: {  	v1 =	vmul.f32 v1, v0  }
0x8e: {  	s0 =	sand.u32 $0x3FFFFFF0, s31  }
0x8f: {  	[tilespmem:s0+$0x1080] =	vst v1  }
.Ltmp6:
0x90: {  	(pc) =	sbr.rel .LBB2_9-.Ltmp6, $4  }
0x91: {  	[hbm4b:s10+s4] =	stream.linear.scatter [tilespmem:s20], [sflag:$0x3], $0x80, $0x38;
	[tilespmem:$0x11100] =	vst v63  }
0x92: {  	_ =	swait.ge [sflag:s13], $0x80  }
0x93: {  	[sflag:s13] =	ssyncset.done $0x0  }
0x94: {  	[sflag:s13] =	ssyncadd.s32 $0xFFFFFF80  }
.LBB2_10:
0x95: {  	_ =	sfence.sel $0x180000  }
0x96: {  	[bflag:$0x0] =	sbarrier.arrive $0xFFFF  }
0x97: {  	_ =	strace $0x90000047  }
0x98: {  	s0 =	stileid.u32;
	[bflag:$0x2] =	sbarrier.arrive $0xFFFF  }
0x99: {  	p0 =	sne.s32 s0, $0x0;
	s0 =	rddreg [dreg:$0x4]  }
0x9a: {  	s0 =	sadd.s32 @!p0 $0x100000, s0  }
0x9b: {  	[sflag:s0] =	ssyncadd.tile.s32 @!p0 $0x1;
	_ =	shalt  }
.Lfunc_end2:
_tile_overlayer_lowered:
.L_overlay_start_2:
0x9c: {  	(tag) =	ssettag $0x2  }
0x9d: {  	s0 =	rddreg [dreg:$0x0];
	s2 =	stileid.u32  }
0x9e: {  	s1 =	rddreg [dreg:$0x1];
	p0 =	sne.s32 s2, $0x0  }
0x9f: {  	s3 =	rddreg [dreg:$0x2];
	[bflag:$0x3] =	sbarrier.arrive $0xFFFF;
	s2 =	simm.s32 @!p0 $0x1C03  }
0xa0: {  	[timem:s3], [sflag:s2] =	dma.local @!p0 [hbm:s0], s1  }
0xa1: {  	s0 =	simm.s32 @!p0 $0x3  }
0xa2: {  	_ =	swait.ge @!p0 [sflag:s0], s1  }
0xa3: {  	s1 =	ssub.s32 @!p0 $0x0, s1;
	[sflag:s0] =	ssyncset.done @!p0 $0x0  }
0xa4: {  	[sflag:s0] =	ssyncadd.s32 @!p0 s1  }
0xa5: {  	[bflag:$0x3] =	sbarrier.arrive $0xFFFF  }
0xa6: {  	_ =	shalt  }

</sc_bundles>
